<compile_context>
chip_gen: v7x
topology: tpu7x:2x2x1
jax: 0.10.2.dev20260603
libtpu: 0.0.44.dev20260713+nightly
codegen_flags: <defaults>
</compile_context>

<pallas_src>
import functools

import jax
import jax.numpy as jnp
from jax import lax
from jax.experimental import pallas as pl
from jax.experimental.pallas import tpu as pltpu
from jax.experimental.pallas import tpu_sc as plsc

_L = 16
_CHUNK = 128


@functools.lru_cache(maxsize=None)
def _build(batch, embed_dim):
    info = plsc.get_sparse_core_info()
    nw = info.num_cores * info.num_subcores
    bpw = batch // nw
    nch = bpw // _CHUNK
    mesh = plsc.VectorSubcoreMesh(core_axis_name="c", subcore_axis_name="s")

    @functools.partial(
        pl.kernel,
        mesh=mesh,
        out_type=jax.ShapeDtypeStruct((batch,), jnp.float32),
        compiler_params=pltpu.CompilerParams(needs_layout_passes=False,
                                             use_tc_tiling_on_sc=False),
        scratch_types=[
            pltpu.VMEM((nch, _CHUNK), jnp.int32),
            pltpu.VMEM((nch, _CHUNK), jnp.int32),
            pltpu.VMEM((bpw, embed_dim), jnp.float32),
            pltpu.VMEM((bpw, embed_dim), jnp.float32),
            pltpu.VMEM((bpw,), jnp.float32),
            pltpu.VMEM((bpw,), jnp.float32),
            pltpu.VMEM((bpw,), jnp.float32),
            pltpu.VMEM((_L,), jnp.float32),
            pltpu.SemaphoreType.DMA,
        ],
    )
    def mf(src_hbm, dst_hbm, uemb_hbm, ubias_hbm, iemb_hbm, ibias_hbm,
           mean_hbm, out_hbm, sidx, didx, urows, irows, ub, ib, outv,
           meanv, sem):
        wid = lax.axis_index("s") * info.num_cores + lax.axis_index("c")
        base = wid * bpw

        pltpu.sync_copy(src_hbm.at[wid], sidx)
        pltpu.sync_copy(dst_hbm.at[wid], didx)
        pltpu.sync_copy(mean_hbm, meanv)

        descs = []
        for j in range(nch):
            rows = pl.ds(j * _CHUNK, _CHUNK)
            descs.append(pltpu.async_copy(uemb_hbm.at[sidx.at[j]],
                                          urows.at[rows, :], sem))
            descs.append(pltpu.async_copy(iemb_hbm.at[didx.at[j]],
                                          irows.at[rows, :], sem))
            descs.append(pltpu.async_copy(ubias_hbm.at[sidx.at[j]],
                                          ub.at[rows], sem))
            descs.append(pltpu.async_copy(ibias_hbm.at[didx.at[j]],
                                          ib.at[rows], sem))
        for d in descs:
            d.wait()

        mean_vec = meanv[...]
        lanes = lax.iota(jnp.int32, _L)

        def group_body(g, _):
            sl = pl.ds(g * _L, _L)
            out_vec = jnp.zeros((_L,), jnp.float32)
            for j in range(_L):
                r = g * _L + j
                acc = urows[r, pl.ds(0, _L)] * irows[r, pl.ds(0, _L)]
                for c in range(1, embed_dim // _L):
                    acc = acc + (urows[r, pl.ds(c * _L, _L)]
                                 * irows[r, pl.ds(c * _L, _L)])
                s = jnp.sum(acc)
                out_vec = jnp.where(lanes == j, s, out_vec)
            outv[sl] = out_vec + ub[sl] + ib[sl] + mean_vec
            return 0

        lax.fori_loop(0, bpw // _L, group_body, 0)

        pltpu.sync_copy(outv, out_hbm.at[pl.ds(base, bpw)])

    return mf, nw, nch


def kernel(src, dst, user_emb, user_bias, item_emb, item_bias, mean):
    batch = src.shape[0]
    embed_dim = user_emb.shape[1]
    mf, nw, nch = _build(batch, embed_dim)
    src3 = src.astype(jnp.int32).reshape(nw, nch, _CHUNK)
    dst3 = dst.astype(jnp.int32).reshape(nw, nch, _CHUNK)
    mean16 = jnp.broadcast_to(mean.reshape(()), (_L,)).astype(jnp.float32)
    return mf(src3, dst3, user_emb, user_bias.reshape(-1),
              item_emb, item_bias.reshape(-1), mean16)

# --- scband reference (transcript-rebuilt; emitter-appended) ---
"""Pipeline reference for scband-mf-9861244912154 (READ-ONLY COPY).

The authoritative reference and input builder live on the scoring server;
editing this copy changes nothing except your own understanding.
"""

import jax, jax.numpy as jnp
import numpy as np

NUM_USERS = 1000000
NUM_ITEMS = 1000000
EMBED_DIM = 64
BATCH = 16384
MEAN = 0.0

def _xavier_uniform(key, shape):
    fan_in, fan_out = shape[0], shape[1]
    limit = float(np.sqrt(6.0 / (fan_in + fan_out)))
    return jax.random.uniform(key, shape, dtype=jnp.float32, minval=-limit, maxval=limit)

def setup_inputs(seed: int = 0) -> dict:
    key = jax.random.key(seed)
    k_src, k_dst, k_ue, k_ub, k_ie, k_ib = jax.random.split(key, 6)
    src = jax.random.randint(k_src, (BATCH,), 0, NUM_USERS, dtype=jnp.int64 if jax.config.jax_enable_x64 else jnp.int32)
    dst = jax.random.randint(k_dst, (BATCH,), 0, NUM_ITEMS, dtype=jnp.int64 if jax.config.jax_enable_x64 else jnp.int32)
    user_emb = _xavier_uniform(k_ue, (NUM_USERS, EMBED_DIM))
    user_bias = _xavier_uniform(k_ub, (NUM_USERS, 1))
    item_emb = _xavier_uniform(k_ie, (NUM_ITEMS, EMBED_DIM))
    item_bias = _xavier_uniform(k_ib, (NUM_ITEMS, 1))
    mean = jnp.array([MEAN], dtype=jnp.float32)
    return {"src": src, "dst": dst, "user_emb": user_emb, "user_bias": user_bias, "item_emb": item_emb, "item_bias": item_bias, "mean": mean}

def reference(src, dst, user_emb, user_bias, item_emb, item_bias, mean):
    src_emb = jnp.take(user_emb, src, axis=0)
    src_bias = jnp.take(user_bias, src, axis=0).squeeze(-1)
    dst_emb = jnp.take(item_emb, dst, axis=0)
    dst_bias = jnp.take(item_bias, dst, axis=0).squeeze(-1)
    return jnp.sum(src_emb * dst_emb, axis=1) + src_bias + dst_bias + mean

if __name__ == "__main__":
    import jax
    _d = setup_inputs()
    print(jax.jit(kernel)(*tuple(_d.values())))

</pallas_src>

<mosaic_0001>
#map = affine_map<(d0, d1) -> (0, 0, 0)>
#map1 = affine_map<(d0, d1) -> (0, 0)>
#map2 = affine_map<(d0, d1) -> (0)>
module attributes {stable_mosaic.version = 14 : i64} {
  func.func @mf(%arg0: i32, %arg1: i32, %arg2: memref<32x4x128xi32, #tpu.memory_space<hbm>>, %arg3: memref<32x4x128xi32, #tpu.memory_space<hbm>>, %arg4: memref<1000000x64xf32, #tpu.memory_space<hbm>>, %arg5: memref<1000000xf32, #tpu.memory_space<hbm>>, %arg6: memref<1000000x64xf32, #tpu.memory_space<hbm>>, %arg7: memref<1000000xf32, #tpu.memory_space<hbm>>, %arg8: memref<16xf32, #tpu.memory_space<hbm>>, %arg9: memref<16384xf32, #tpu.memory_space<hbm>>, %arg10: memref<4x128xi32, #tpu.memory_space<vmem>>, %arg11: memref<4x128xi32, #tpu.memory_space<vmem>>, %arg12: memref<512x64xf32, #tpu.memory_space<vmem>>, %arg13: memref<512x64xf32, #tpu.memory_space<vmem>>, %arg14: memref<512xf32, #tpu.memory_space<vmem>>, %arg15: memref<512xf32, #tpu.memory_space<vmem>>, %arg16: memref<512xf32, #tpu.memory_space<vmem>>, %arg17: memref<16xf32, #tpu.memory_space<vmem>>, %arg18: memref<!tpu.dma_semaphore, #tpu.memory_space<semaphore_mem>>) attributes {dimension_semantics = [#tpu.dimension_semantics<core_parallel>, #tpu.dimension_semantics<subcore_parallel>], iteration_bounds = array<i64: 2, 16>, scalar_prefetch = 0 : i64, scratch_operands = 9 : i64, tpu.core_type = #tpu.core_type<sc_vector_subcore>, window_params = [{transform_indices = #map}, {transform_indices = #map}, {transform_indices = #map1}, {transform_indices = #map2}, {transform_indices = #map1}, {transform_indices = #map2}, {transform_indices = #map2}, {transform_indices = #map2}]} {
    %mul3A = arith.constant 2 : i32
    %mul3A_0 = arith.muli %arg1, %mul3A : i32
    %add3A = arith.addi %mul3A_0, %arg0 : i32
    %mul3A_1 = arith.constant 512 : i32
    %mul3A_2 = arith.muli %add3A, %mul3A_1 : i32
    "tpu.region"() ({
      %run_scoped3A = tpu.sem_alloc : memref<!tpu.dma_semaphore, #tpu.memory_space<semaphore_mem>>
      %dma_start3A_296 = arith.constant 0 : i32
      %dma_start3A_297 = arith.constant 0 : i32
      %dma_start3A_298 = tpu.memref_slice %arg2[%add3A, %dma_start3A_296, %dma_start3A_297] : memref<32x4x128xi32, #tpu.memory_space<hbm>> -> memref<1x4x128xi32, #tpu.memory_space<hbm>>
      %dma_start3A_299 = tpu.memref_squeeze %dma_start3A_298 : memref<1x4x128xi32, #tpu.memory_space<hbm>> -> memref<4x128xi32, #tpu.memory_space<hbm>>
      %dma_start3A_300 = arith.constant 0 : i32
      %dma_start3A_301 = arith.constant 0 : i32
      %dma_start3A_302 = tpu.memref_slice %arg2[%add3A, %dma_start3A_300, %dma_start3A_301] : memref<32x4x128xi32, #tpu.memory_space<hbm>> -> memref<1x4x128xi32, #tpu.memory_space<hbm>>
      %dma_start3A_303 = tpu.memref_squeeze %dma_start3A_302 : memref<1x4x128xi32, #tpu.memory_space<hbm>> -> memref<4x128xi32, #tpu.memory_space<hbm>>
      tpu.enqueue_dma source(%dma_start3A_303 : memref<4x128xi32, #tpu.memory_space<hbm>>) target(%arg10 : memref<4x128xi32, #tpu.memory_space<vmem>>) target_semaphore(%run_scoped3A : memref<!tpu.dma_semaphore, #tpu.memory_space<semaphore_mem>>)
      %dma_wait3A_304 = arith.constant 0 : i32
      %dma_wait3A_305 = arith.constant 0 : i32
      %dma_wait3A_306 = tpu.memref_slice %arg2[%add3A, %dma_wait3A_304, %dma_wait3A_305] : memref<32x4x128xi32, #tpu.memory_space<hbm>> -> memref<1x4x128xi32, #tpu.memory_space<hbm>>
      %dma_wait3A_307 = tpu.memref_squeeze %dma_wait3A_306 : memref<1x4x128xi32, #tpu.memory_space<hbm>> -> memref<4x128xi32, #tpu.memory_space<hbm>>
      %dma_wait3A_308 = arith.constant 0 : i32
      %dma_wait3A_309 = arith.constant 0 : i32
      %dma_wait3A_310 = tpu.memref_slice %arg2[%add3A, %dma_wait3A_308, %dma_wait3A_309] : memref<32x4x128xi32, #tpu.memory_space<hbm>> -> memref<1x4x128xi32, #tpu.memory_space<hbm>>
      %dma_wait3A_311 = tpu.memref_squeeze %dma_wait3A_310 : memref<1x4x128xi32, #tpu.memory_space<hbm>> -> memref<4x128xi32, #tpu.memory_space<hbm>>
      tpu.wait_dma2 semaphore(%run_scoped3A : memref<!tpu.dma_semaphore, #tpu.memory_space<semaphore_mem>>) src(%dma_wait3A_311 : memref<4x128xi32, #tpu.memory_space<hbm>>) dst(%arg10 : memref<4x128xi32, #tpu.memory_space<vmem>>)
      tpu.yield
    }) : () -> ()
    "tpu.region"() ({
      %run_scoped3A = tpu.sem_alloc : memref<!tpu.dma_semaphore, #tpu.memory_space<semaphore_mem>>
      %dma_start3A_296 = arith.constant 0 : i32
      %dma_start3A_297 = arith.constant 0 : i32
      %dma_start3A_298 = tpu.memref_slice %arg3[%add3A, %dma_start3A_296, %dma_start3A_297] : memref<32x4x128xi32, #tpu.memory_space<hbm>> -> memref<1x4x128xi32, #tpu.memory_space<hbm>>
      %dma_start3A_299 = tpu.memref_squeeze %dma_start3A_298 : memref<1x4x128xi32, #tpu.memory_space<hbm>> -> memref<4x128xi32, #tpu.memory_space<hbm>>
      %dma_start3A_300 = arith.constant 0 : i32
      %dma_start3A_301 = arith.constant 0 : i32
      %dma_start3A_302 = tpu.memref_slice %arg3[%add3A, %dma_start3A_300, %dma_start3A_301] : memref<32x4x128xi32, #tpu.memory_space<hbm>> -> memref<1x4x128xi32, #tpu.memory_space<hbm>>
      %dma_start3A_303 = tpu.memref_squeeze %dma_start3A_302 : memref<1x4x128xi32, #tpu.memory_space<hbm>> -> memref<4x128xi32, #tpu.memory_space<hbm>>
      tpu.enqueue_dma source(%dma_start3A_303 : memref<4x128xi32, #tpu.memory_space<hbm>>) target(%arg11 : memref<4x128xi32, #tpu.memory_space<vmem>>) target_semaphore(%run_scoped3A : memref<!tpu.dma_semaphore, #tpu.memory_space<semaphore_mem>>)
      %dma_wait3A_304 = arith.constant 0 : i32
      %dma_wait3A_305 = arith.constant 0 : i32
      %dma_wait3A_306 = tpu.memref_slice %arg3[%add3A, %dma_wait3A_304, %dma_wait3A_305] : memref<32x4x128xi32, #tpu.memory_space<hbm>> -> memref<1x4x128xi32, #tpu.memory_space<hbm>>
      %dma_wait3A_307 = tpu.memref_squeeze %dma_wait3A_306 : memref<1x4x128xi32, #tpu.memory_space<hbm>> -> memref<4x128xi32, #tpu.memory_space<hbm>>
      %dma_wait3A_308 = arith.constant 0 : i32
      %dma_wait3A_309 = arith.constant 0 : i32
      %dma_wait3A_310 = tpu.memref_slice %arg3[%add3A, %dma_wait3A_308, %dma_wait3A_309] : memref<32x4x128xi32, #tpu.memory_space<hbm>> -> memref<1x4x128xi32, #tpu.memory_space<hbm>>
      %dma_wait3A_311 = tpu.memref_squeeze %dma_wait3A_310 : memref<1x4x128xi32, #tpu.memory_space<hbm>> -> memref<4x128xi32, #tpu.memory_space<hbm>>
      tpu.wait_dma2 semaphore(%run_scoped3A : memref<!tpu.dma_semaphore, #tpu.memory_space<semaphore_mem>>) src(%dma_wait3A_311 : memref<4x128xi32, #tpu.memory_space<hbm>>) dst(%arg11 : memref<4x128xi32, #tpu.memory_space<vmem>>)
      tpu.yield
    }) : () -> ()
    "tpu.region"() ({
      %run_scoped3A = tpu.sem_alloc : memref<!tpu.dma_semaphore, #tpu.memory_space<semaphore_mem>>
      tpu.enqueue_dma source(%arg8 : memref<16xf32, #tpu.memory_space<hbm>>) target(%arg17 : memref<16xf32, #tpu.memory_space<vmem>>) target_semaphore(%run_scoped3A : memref<!tpu.dma_semaphore, #tpu.memory_space<semaphore_mem>>)
      tpu.wait_dma2 semaphore(%run_scoped3A : memref<!tpu.dma_semaphore, #tpu.memory_space<semaphore_mem>>) src(%arg8 : memref<16xf32, #tpu.memory_space<hbm>>) dst(%arg17 : memref<16xf32, #tpu.memory_space<vmem>>)
      tpu.yield
    }) : () -> ()
    %dma_start3A = arith.constant 0 : i32
    %dma_start3A_3 = arith.constant 0 : i32
    %dma_start3A_4 = arith.constant 0 : i32
    %dma_start3A_5 = tpu.memref_slice %arg12[%dma_start3A_3, %dma_start3A_4] : memref<512x64xf32, #tpu.memory_space<vmem>> -> memref<128x64xf32, #tpu.memory_space<vmem>>
    %dma_start3A_6 = arith.constant 0 : i32
    %dma_start3A_7 = tpu.memref_slice %arg10[%dma_start3A, %dma_start3A_6] : memref<4x128xi32, #tpu.memory_space<vmem>> -> memref<1x128xi32, #tpu.memory_space<vmem>>
    %dma_start3A_8 = tpu.memref_squeeze %dma_start3A_7 : memref<1x128xi32, #tpu.memory_space<vmem>> -> memref<128xi32, #tpu.memory_space<vmem>>
    %dma_start3A_9 = arith.constant 0 : i32
    %dma_start3A_10 = arith.constant 0 : i32
    %dma_start3A_11 = tpu.memref_slice %arg4[%dma_start3A_9, %dma_start3A_10] : memref<1000000x64xf32, #tpu.memory_space<hbm>> -> memref<1000000x64xf32, #tpu.memory_space<hbm>>
    tpu.enqueue_indirect_dma source(%dma_start3A_11 : memref<1000000x64xf32, #tpu.memory_space<hbm>>) target(%dma_start3A_5 : memref<128x64xf32, #tpu.memory_space<vmem>>) offsets(%dma_start3A_8 : memref<128xi32, #tpu.memory_space<vmem>>) semaphore(%arg18 : memref<!tpu.dma_semaphore, #tpu.memory_space<semaphore_mem>>)
    %dma_start3A_12 = arith.constant 0 : i32
    %dma_start3A_13 = arith.constant 0 : i32
    %dma_start3A_14 = arith.constant 0 : i32
    %dma_start3A_15 = tpu.memref_slice %arg13[%dma_start3A_13, %dma_start3A_14] : memref<512x64xf32, #tpu.memory_space<vmem>> -> memref<128x64xf32, #tpu.memory_space<vmem>>
    %dma_start3A_16 = arith.constant 0 : i32
    %dma_start3A_17 = tpu.memref_slice %arg11[%dma_start3A_12, %dma_start3A_16] : memref<4x128xi32, #tpu.memory_space<vmem>> -> memref<1x128xi32, #tpu.memory_space<vmem>>
    %dma_start3A_18 = tpu.memref_squeeze %dma_start3A_17 : memref<1x128xi32, #tpu.memory_space<vmem>> -> memref<128xi32, #tpu.memory_space<vmem>>
    %dma_start3A_19 = arith.constant 0 : i32
    %dma_start3A_20 = arith.constant 0 : i32
    %dma_start3A_21 = tpu.memref_slice %arg6[%dma_start3A_19, %dma_start3A_20] : memref<1000000x64xf32, #tpu.memory_space<hbm>> -> memref<1000000x64xf32, #tpu.memory_space<hbm>>
    tpu.enqueue_indirect_dma source(%dma_start3A_21 : memref<1000000x64xf32, #tpu.memory_space<hbm>>) target(%dma_start3A_15 : memref<128x64xf32, #tpu.memory_space<vmem>>) offsets(%dma_start3A_18 : memref<128xi32, #tpu.memory_space<vmem>>) semaphore(%arg18 : memref<!tpu.dma_semaphore, #tpu.memory_space<semaphore_mem>>)
    %dma_start3A_22 = arith.constant 0 : i32
    %dma_start3A_23 = arith.constant 0 : i32
    %dma_start3A_24 = tpu.memref_slice %arg14[%dma_start3A_23] : memref<512xf32, #tpu.memory_space<vmem>> -> memref<128xf32, #tpu.memory_space<vmem>>
    %dma_start3A_25 = arith.constant 0 : i32
    %dma_start3A_26 = tpu.memref_slice %arg10[%dma_start3A_22, %dma_start3A_25] : memref<4x128xi32, #tpu.memory_space<vmem>> -> memref<1x128xi32, #tpu.memory_space<vmem>>
    %dma_start3A_27 = tpu.memref_squeeze %dma_start3A_26 : memref<1x128xi32, #tpu.memory_space<vmem>> -> memref<128xi32, #tpu.memory_space<vmem>>
    %dma_start3A_28 = arith.constant 0 : i32
    %dma_start3A_29 = tpu.memref_slice %arg5[%dma_start3A_28] : memref<1000000xf32, #tpu.memory_space<hbm>> -> memref<1000000xf32, #tpu.memory_space<hbm>>
    tpu.enqueue_indirect_dma source(%dma_start3A_29 : memref<1000000xf32, #tpu.memory_space<hbm>>) target(%dma_start3A_24 : memref<128xf32, #tpu.memory_space<vmem>>) offsets(%dma_start3A_27 : memref<128xi32, #tpu.memory_space<vmem>>) semaphore(%arg18 : memref<!tpu.dma_semaphore, #tpu.memory_space<semaphore_mem>>)
    %dma_start3A_30 = arith.constant 0 : i32
    %dma_start3A_31 = arith.constant 0 : i32
    %dma_start3A_32 = tpu.memref_slice %arg15[%dma_start3A_31] : memref<512xf32, #tpu.memory_space<vmem>> -> memref<128xf32, #tpu.memory_space<vmem>>
    %dma_start3A_33 = arith.constant 0 : i32
    %dma_start3A_34 = tpu.memref_slice %arg11[%dma_start3A_30, %dma_start3A_33] : memref<4x128xi32, #tpu.memory_space<vmem>> -> memref<1x128xi32, #tpu.memory_space<vmem>>
    %dma_start3A_35 = tpu.memref_squeeze %dma_start3A_34 : memref<1x128xi32, #tpu.memory_space<vmem>> -> memref<128xi32, #tpu.memory_space<vmem>>
    %dma_start3A_36 = arith.constant 0 : i32
    %dma_start3A_37 = tpu.memref_slice %arg7[%dma_start3A_36] : memref<1000000xf32, #tpu.memory_space<hbm>> -> memref<1000000xf32, #tpu.memory_space<hbm>>
    tpu.enqueue_indirect_dma source(%dma_start3A_37 : memref<1000000xf32, #tpu.memory_space<hbm>>) target(%dma_start3A_32 : memref<128xf32, #tpu.memory_space<vmem>>) offsets(%dma_start3A_35 : memref<128xi32, #tpu.memory_space<vmem>>) semaphore(%arg18 : memref<!tpu.dma_semaphore, #tpu.memory_space<semaphore_mem>>)
    %dma_start3A_38 = arith.constant 1 : i32
    %dma_start3A_39 = arith.constant 128 : i32
    %dma_start3A_40 = arith.constant 0 : i32
    %dma_start3A_41 = tpu.memref_slice %arg12[%dma_start3A_39, %dma_start3A_40] : memref<512x64xf32, #tpu.memory_space<vmem>> -> memref<128x64xf32, #tpu.memory_space<vmem>>
    %dma_start3A_42 = arith.constant 0 : i32
    %dma_start3A_43 = tpu.memref_slice %arg10[%dma_start3A_38, %dma_start3A_42] : memref<4x128xi32, #tpu.memory_space<vmem>> -> memref<1x128xi32, #tpu.memory_space<vmem>>
    %dma_start3A_44 = tpu.memref_squeeze %dma_start3A_43 : memref<1x128xi32, #tpu.memory_space<vmem>> -> memref<128xi32, #tpu.memory_space<vmem>>
    %dma_start3A_45 = arith.constant 0 : i32
    %dma_start3A_46 = arith.constant 0 : i32
    %dma_start3A_47 = tpu.memref_slice %arg4[%dma_start3A_45, %dma_start3A_46] : memref<1000000x64xf32, #tpu.memory_space<hbm>> -> memref<1000000x64xf32, #tpu.memory_space<hbm>>
    tpu.enqueue_indirect_dma source(%dma_start3A_47 : memref<1000000x64xf32, #tpu.memory_space<hbm>>) target(%dma_start3A_41 : memref<128x64xf32, #tpu.memory_space<vmem>>) offsets(%dma_start3A_44 : memref<128xi32, #tpu.memory_space<vmem>>) semaphore(%arg18 : memref<!tpu.dma_semaphore, #tpu.memory_space<semaphore_mem>>)
    %dma_start3A_48 = arith.constant 1 : i32
    %dma_start3A_49 = arith.constant 128 : i32
    %dma_start3A_50 = arith.constant 0 : i32
    %dma_start3A_51 = tpu.memref_slice %arg13[%dma_start3A_49, %dma_start3A_50] : memref<512x64xf32, #tpu.memory_space<vmem>> -> memref<128x64xf32, #tpu.memory_space<vmem>>
    %dma_start3A_52 = arith.constant 0 : i32
    %dma_start3A_53 = tpu.memref_slice %arg11[%dma_start3A_48, %dma_start3A_52] : memref<4x128xi32, #tpu.memory_space<vmem>> -> memref<1x128xi32, #tpu.memory_space<vmem>>
    %dma_start3A_54 = tpu.memref_squeeze %dma_start3A_53 : memref<1x128xi32, #tpu.memory_space<vmem>> -> memref<128xi32, #tpu.memory_space<vmem>>
    %dma_start3A_55 = arith.constant 0 : i32
    %dma_start3A_56 = arith.constant 0 : i32
    %dma_start3A_57 = tpu.memref_slice %arg6[%dma_start3A_55, %dma_start3A_56] : memref<1000000x64xf32, #tpu.memory_space<hbm>> -> memref<1000000x64xf32, #tpu.memory_space<hbm>>
    tpu.enqueue_indirect_dma source(%dma_start3A_57 : memref<1000000x64xf32, #tpu.memory_space<hbm>>) target(%dma_start3A_51 : memref<128x64xf32, #tpu.memory_space<vmem>>) offsets(%dma_start3A_54 : memref<128xi32, #tpu.memory_space<vmem>>) semaphore(%arg18 : memref<!tpu.dma_semaphore, #tpu.memory_space<semaphore_mem>>)
    %dma_start3A_58 = arith.constant 1 : i32
    %dma_start3A_59 = arith.constant 128 : i32
    %dma_start3A_60 = tpu.memref_slice %arg14[%dma_start3A_59] : memref<512xf32, #tpu.memory_space<vmem>> -> memref<128xf32, #tpu.memory_space<vmem>>
    %dma_start3A_61 = arith.constant 0 : i32
    %dma_start3A_62 = tpu.memref_slice %arg10[%dma_start3A_58, %dma_start3A_61] : memref<4x128xi32, #tpu.memory_space<vmem>> -> memref<1x128xi32, #tpu.memory_space<vmem>>
    %dma_start3A_63 = tpu.memref_squeeze %dma_start3A_62 : memref<1x128xi32, #tpu.memory_space<vmem>> -> memref<128xi32, #tpu.memory_space<vmem>>
    %dma_start3A_64 = arith.constant 0 : i32
    %dma_start3A_65 = tpu.memref_slice %arg5[%dma_start3A_64] : memref<1000000xf32, #tpu.memory_space<hbm>> -> memref<1000000xf32, #tpu.memory_space<hbm>>
    tpu.enqueue_indirect_dma source(%dma_start3A_65 : memref<1000000xf32, #tpu.memory_space<hbm>>) target(%dma_start3A_60 : memref<128xf32, #tpu.memory_space<vmem>>) offsets(%dma_start3A_63 : memref<128xi32, #tpu.memory_space<vmem>>) semaphore(%arg18 : memref<!tpu.dma_semaphore, #tpu.memory_space<semaphore_mem>>)
    %dma_start3A_66 = arith.constant 1 : i32
    %dma_start3A_67 = arith.constant 128 : i32
    %dma_start3A_68 = tpu.memref_slice %arg15[%dma_start3A_67] : memref<512xf32, #tpu.memory_space<vmem>> -> memref<128xf32, #tpu.memory_space<vmem>>
    %dma_start3A_69 = arith.constant 0 : i32
    %dma_start3A_70 = tpu.memref_slice %arg11[%dma_start3A_66, %dma_start3A_69] : memref<4x128xi32, #tpu.memory_space<vmem>> -> memref<1x128xi32, #tpu.memory_space<vmem>>
    %dma_start3A_71 = tpu.memref_squeeze %dma_start3A_70 : memref<1x128xi32, #tpu.memory_space<vmem>> -> memref<128xi32, #tpu.memory_space<vmem>>
    %dma_start3A_72 = arith.constant 0 : i32
    %dma_start3A_73 = tpu.memref_slice %arg7[%dma_start3A_72] : memref<1000000xf32, #tpu.memory_space<hbm>> -> memref<1000000xf32, #tpu.memory_space<hbm>>
    tpu.enqueue_indirect_dma source(%dma_start3A_73 : memref<1000000xf32, #tpu.memory_space<hbm>>) target(%dma_start3A_68 : memref<128xf32, #tpu.memory_space<vmem>>) offsets(%dma_start3A_71 : memref<128xi32, #tpu.memory_space<vmem>>) semaphore(%arg18 : memref<!tpu.dma_semaphore, #tpu.memory_space<semaphore_mem>>)
    %dma_start3A_74 = arith.constant 2 : i32
    %dma_start3A_75 = arith.constant 256 : i32
    %dma_start3A_76 = arith.constant 0 : i32
    %dma_start3A_77 = tpu.memref_slice %arg12[%dma_start3A_75, %dma_start3A_76] : memref<512x64xf32, #tpu.memory_space<vmem>> -> memref<128x64xf32, #tpu.memory_space<vmem>>
    %dma_start3A_78 = arith.constant 0 : i32
    %dma_start3A_79 = tpu.memref_slice %arg10[%dma_start3A_74, %dma_start3A_78] : memref<4x128xi32, #tpu.memory_space<vmem>> -> memref<1x128xi32, #tpu.memory_space<vmem>>
    %dma_start3A_80 = tpu.memref_squeeze %dma_start3A_79 : memref<1x128xi32, #tpu.memory_space<vmem>> -> memref<128xi32, #tpu.memory_space<vmem>>
    %dma_start3A_81 = arith.constant 0 : i32
    %dma_start3A_82 = arith.constant 0 : i32
    %dma_start3A_83 = tpu.memref_slice %arg4[%dma_start3A_81, %dma_start3A_82] : memref<1000000x64xf32, #tpu.memory_space<hbm>> -> memref<1000000x64xf32, #tpu.memory_space<hbm>>
    tpu.enqueue_indirect_dma source(%dma_start3A_83 : memref<1000000x64xf32, #tpu.memory_space<hbm>>) target(%dma_start3A_77 : memref<128x64xf32, #tpu.memory_space<vmem>>) offsets(%dma_start3A_80 : memref<128xi32, #tpu.memory_space<vmem>>) semaphore(%arg18 : memref<!tpu.dma_semaphore, #tpu.memory_space<semaphore_mem>>)
    %dma_start3A_84 = arith.constant 2 : i32
    %dma_start3A_85 = arith.constant 256 : i32
    %dma_start3A_86 = arith.constant 0 : i32
    %dma_start3A_87 = tpu.memref_slice %arg13[%dma_start3A_85, %dma_start3A_86] : memref<512x64xf32, #tpu.memory_space<vmem>> -> memref<128x64xf32, #tpu.memory_space<vmem>>
    %dma_start3A_88 = arith.constant 0 : i32
    %dma_start3A_89 = tpu.memref_slice %arg11[%dma_start3A_84, %dma_start3A_88] : memref<4x128xi32, #tpu.memory_space<vmem>> -> memref<1x128xi32, #tpu.memory_space<vmem>>
    %dma_start3A_90 = tpu.memref_squeeze %dma_start3A_89 : memref<1x128xi32, #tpu.memory_space<vmem>> -> memref<128xi32, #tpu.memory_space<vmem>>
    %dma_start3A_91 = arith.constant 0 : i32
    %dma_start3A_92 = arith.constant 0 : i32
    %dma_start3A_93 = tpu.memref_slice %arg6[%dma_start3A_91, %dma_start3A_92] : memref<1000000x64xf32, #tpu.memory_space<hbm>> -> memref<1000000x64xf32, #tpu.memory_space<hbm>>
    tpu.enqueue_indirect_dma source(%dma_start3A_93 : memref<1000000x64xf32, #tpu.memory_space<hbm>>) target(%dma_start3A_87 : memref<128x64xf32, #tpu.memory_space<vmem>>) offsets(%dma_start3A_90 : memref<128xi32, #tpu.memory_space<vmem>>) semaphore(%arg18 : memref<!tpu.dma_semaphore, #tpu.memory_space<semaphore_mem>>)
    %dma_start3A_94 = arith.constant 2 : i32
    %dma_start3A_95 = arith.constant 256 : i32
    %dma_start3A_96 = tpu.memref_slice %arg14[%dma_start3A_95] : memref<512xf32, #tpu.memory_space<vmem>> -> memref<128xf32, #tpu.memory_space<vmem>>
    %dma_start3A_97 = arith.constant 0 : i32
    %dma_start3A_98 = tpu.memref_slice %arg10[%dma_start3A_94, %dma_start3A_97] : memref<4x128xi32, #tpu.memory_space<vmem>> -> memref<1x128xi32, #tpu.memory_space<vmem>>
    %dma_start3A_99 = tpu.memref_squeeze %dma_start3A_98 : memref<1x128xi32, #tpu.memory_space<vmem>> -> memref<128xi32, #tpu.memory_space<vmem>>
    %dma_start3A_100 = arith.constant 0 : i32
    %dma_start3A_101 = tpu.memref_slice %arg5[%dma_start3A_100] : memref<1000000xf32, #tpu.memory_space<hbm>> -> memref<1000000xf32, #tpu.memory_space<hbm>>
    tpu.enqueue_indirect_dma source(%dma_start3A_101 : memref<1000000xf32, #tpu.memory_space<hbm>>) target(%dma_start3A_96 : memref<128xf32, #tpu.memory_space<vmem>>) offsets(%dma_start3A_99 : memref<128xi32, #tpu.memory_space<vmem>>) semaphore(%arg18 : memref<!tpu.dma_semaphore, #tpu.memory_space<semaphore_mem>>)
    %dma_start3A_102 = arith.constant 2 : i32
    %dma_start3A_103 = arith.constant 256 : i32
    %dma_start3A_104 = tpu.memref_slice %arg15[%dma_start3A_103] : memref<512xf32, #tpu.memory_space<vmem>> -> memref<128xf32, #tpu.memory_space<vmem>>
    %dma_start3A_105 = arith.constant 0 : i32
    %dma_start3A_106 = tpu.memref_slice %arg11[%dma_start3A_102, %dma_start3A_105] : memref<4x128xi32, #tpu.memory_space<vmem>> -> memref<1x128xi32, #tpu.memory_space<vmem>>
    %dma_start3A_107 = tpu.memref_squeeze %dma_start3A_106 : memref<1x128xi32, #tpu.memory_space<vmem>> -> memref<128xi32, #tpu.memory_space<vmem>>
    %dma_start3A_108 = arith.constant 0 : i32
    %dma_start3A_109 = tpu.memref_slice %arg7[%dma_start3A_108] : memref<1000000xf32, #tpu.memory_space<hbm>> -> memref<1000000xf32, #tpu.memory_space<hbm>>
    tpu.enqueue_indirect_dma source(%dma_start3A_109 : memref<1000000xf32, #tpu.memory_space<hbm>>) target(%dma_start3A_104 : memref<128xf32, #tpu.memory_space<vmem>>) offsets(%dma_start3A_107 : memref<128xi32, #tpu.memory_space<vmem>>) semaphore(%arg18 : memref<!tpu.dma_semaphore, #tpu.memory_space<semaphore_mem>>)
    %dma_start3A_110 = arith.constant 3 : i32
    %dma_start3A_111 = arith.constant 384 : i32
    %dma_start3A_112 = arith.constant 0 : i32
    %dma_start3A_113 = tpu.memref_slice %arg12[%dma_start3A_111, %dma_start3A_112] : memref<512x64xf32, #tpu.memory_space<vmem>> -> memref<128x64xf32, #tpu.memory_space<vmem>>
    %dma_start3A_114 = arith.constant 0 : i32
    %dma_start3A_115 = tpu.memref_slice %arg10[%dma_start3A_110, %dma_start3A_114] : memref<4x128xi32, #tpu.memory_space<vmem>> -> memref<1x128xi32, #tpu.memory_space<vmem>>
    %dma_start3A_116 = tpu.memref_squeeze %dma_start3A_115 : memref<1x128xi32, #tpu.memory_space<vmem>> -> memref<128xi32, #tpu.memory_space<vmem>>
    %dma_start3A_117 = arith.constant 0 : i32
    %dma_start3A_118 = arith.constant 0 : i32
    %dma_start3A_119 = tpu.memref_slice %arg4[%dma_start3A_117, %dma_start3A_118] : memref<1000000x64xf32, #tpu.memory_space<hbm>> -> memref<1000000x64xf32, #tpu.memory_space<hbm>>
    tpu.enqueue_indirect_dma source(%dma_start3A_119 : memref<1000000x64xf32, #tpu.memory_space<hbm>>) target(%dma_start3A_113 : memref<128x64xf32, #tpu.memory_space<vmem>>) offsets(%dma_start3A_116 : memref<128xi32, #tpu.memory_space<vmem>>) semaphore(%arg18 : memref<!tpu.dma_semaphore, #tpu.memory_space<semaphore_mem>>)
    %dma_start3A_120 = arith.constant 3 : i32
    %dma_start3A_121 = arith.constant 384 : i32
    %dma_start3A_122 = arith.constant 0 : i32
    %dma_start3A_123 = tpu.memref_slice %arg13[%dma_start3A_121, %dma_start3A_122] : memref<512x64xf32, #tpu.memory_space<vmem>> -> memref<128x64xf32, #tpu.memory_space<vmem>>
    %dma_start3A_124 = arith.constant 0 : i32
    %dma_start3A_125 = tpu.memref_slice %arg11[%dma_start3A_120, %dma_start3A_124] : memref<4x128xi32, #tpu.memory_space<vmem>> -> memref<1x128xi32, #tpu.memory_space<vmem>>
    %dma_start3A_126 = tpu.memref_squeeze %dma_start3A_125 : memref<1x128xi32, #tpu.memory_space<vmem>> -> memref<128xi32, #tpu.memory_space<vmem>>
    %dma_start3A_127 = arith.constant 0 : i32
    %dma_start3A_128 = arith.constant 0 : i32
    %dma_start3A_129 = tpu.memref_slice %arg6[%dma_start3A_127, %dma_start3A_128] : memref<1000000x64xf32, #tpu.memory_space<hbm>> -> memref<1000000x64xf32, #tpu.memory_space<hbm>>
    tpu.enqueue_indirect_dma source(%dma_start3A_129 : memref<1000000x64xf32, #tpu.memory_space<hbm>>) target(%dma_start3A_123 : memref<128x64xf32, #tpu.memory_space<vmem>>) offsets(%dma_start3A_126 : memref<128xi32, #tpu.memory_space<vmem>>) semaphore(%arg18 : memref<!tpu.dma_semaphore, #tpu.memory_space<semaphore_mem>>)
    %dma_start3A_130 = arith.constant 3 : i32
    %dma_start3A_131 = arith.constant 384 : i32
    %dma_start3A_132 = tpu.memref_slice %arg14[%dma_start3A_131] : memref<512xf32, #tpu.memory_space<vmem>> -> memref<128xf32, #tpu.memory_space<vmem>>
    %dma_start3A_133 = arith.constant 0 : i32
    %dma_start3A_134 = tpu.memref_slice %arg10[%dma_start3A_130, %dma_start3A_133] : memref<4x128xi32, #tpu.memory_space<vmem>> -> memref<1x128xi32, #tpu.memory_space<vmem>>
    %dma_start3A_135 = tpu.memref_squeeze %dma_start3A_134 : memref<1x128xi32, #tpu.memory_space<vmem>> -> memref<128xi32, #tpu.memory_space<vmem>>
    %dma_start3A_136 = arith.constant 0 : i32
    %dma_start3A_137 = tpu.memref_slice %arg5[%dma_start3A_136] : memref<1000000xf32, #tpu.memory_space<hbm>> -> memref<1000000xf32, #tpu.memory_space<hbm>>
    tpu.enqueue_indirect_dma source(%dma_start3A_137 : memref<1000000xf32, #tpu.memory_space<hbm>>) target(%dma_start3A_132 : memref<128xf32, #tpu.memory_space<vmem>>) offsets(%dma_start3A_135 : memref<128xi32, #tpu.memory_space<vmem>>) semaphore(%arg18 : memref<!tpu.dma_semaphore, #tpu.memory_space<semaphore_mem>>)
    %dma_start3A_138 = arith.constant 3 : i32
    %dma_start3A_139 = arith.constant 384 : i32
    %dma_start3A_140 = tpu.memref_slice %arg15[%dma_start3A_139] : memref<512xf32, #tpu.memory_space<vmem>> -> memref<128xf32, #tpu.memory_space<vmem>>
    %dma_start3A_141 = arith.constant 0 : i32
    %dma_start3A_142 = tpu.memref_slice %arg11[%dma_start3A_138, %dma_start3A_141] : memref<4x128xi32, #tpu.memory_space<vmem>> -> memref<1x128xi32, #tpu.memory_space<vmem>>
    %dma_start3A_143 = tpu.memref_squeeze %dma_start3A_142 : memref<1x128xi32, #tpu.memory_space<vmem>> -> memref<128xi32, #tpu.memory_space<vmem>>
    %dma_start3A_144 = arith.constant 0 : i32
    %dma_start3A_145 = tpu.memref_slice %arg7[%dma_start3A_144] : memref<1000000xf32, #tpu.memory_space<hbm>> -> memref<1000000xf32, #tpu.memory_space<hbm>>
    tpu.enqueue_indirect_dma source(%dma_start3A_145 : memref<1000000xf32, #tpu.memory_space<hbm>>) target(%dma_start3A_140 : memref<128xf32, #tpu.memory_space<vmem>>) offsets(%dma_start3A_143 : memref<128xi32, #tpu.memory_space<vmem>>) semaphore(%arg18 : memref<!tpu.dma_semaphore, #tpu.memory_space<semaphore_mem>>)
    %dma_wait3A = arith.constant 0 : i32
    %dma_wait3A_146 = arith.constant 0 : i32
    %dma_wait3A_147 = arith.constant 0 : i32
    %dma_wait3A_148 = tpu.memref_slice %arg12[%dma_wait3A_146, %dma_wait3A_147] : memref<512x64xf32, #tpu.memory_space<vmem>> -> memref<128x64xf32, #tpu.memory_space<vmem>>
    %dma_wait3A_149 = arith.constant 0 : i32
    %dma_wait3A_150 = tpu.memref_slice %arg10[%dma_wait3A, %dma_wait3A_149] : memref<4x128xi32, #tpu.memory_space<vmem>> -> memref<1x128xi32, #tpu.memory_space<vmem>>
    %dma_wait3A_151 = tpu.memref_squeeze %dma_wait3A_150 : memref<1x128xi32, #tpu.memory_space<vmem>> -> memref<128xi32, #tpu.memory_space<vmem>>
    %dma_wait3A_152 = arith.constant 0 : i32
    %dma_wait3A_153 = arith.constant 0 : i32
    %dma_wait3A_154 = tpu.memref_slice %arg4[%dma_wait3A_152, %dma_wait3A_153] : memref<1000000x64xf32, #tpu.memory_space<hbm>> -> memref<1000000x64xf32, #tpu.memory_space<hbm>>
    tpu.wait_indirect_dma semaphore(%arg18 : memref<!tpu.dma_semaphore, #tpu.memory_space<semaphore_mem>>) src(%dma_wait3A_154 : memref<1000000x64xf32, #tpu.memory_space<hbm>>) dst(%dma_wait3A_148 : memref<128x64xf32, #tpu.memory_space<vmem>>)
    %dma_wait3A_155 = arith.constant 0 : i32
    %dma_wait3A_156 = arith.constant 0 : i32
    %dma_wait3A_157 = arith.constant 0 : i32
    %dma_wait3A_158 = tpu.memref_slice %arg13[%dma_wait3A_156, %dma_wait3A_157] : memref<512x64xf32, #tpu.memory_space<vmem>> -> memref<128x64xf32, #tpu.memory_space<vmem>>
    %dma_wait3A_159 = arith.constant 0 : i32
    %dma_wait3A_160 = tpu.memref_slice %arg11[%dma_wait3A_155, %dma_wait3A_159] : memref<4x128xi32, #tpu.memory_space<vmem>> -> memref<1x128xi32, #tpu.memory_space<vmem>>
    %dma_wait3A_161 = tpu.memref_squeeze %dma_wait3A_160 : memref<1x128xi32, #tpu.memory_space<vmem>> -> memref<128xi32, #tpu.memory_space<vmem>>
    %dma_wait3A_162 = arith.constant 0 : i32
    %dma_wait3A_163 = arith.constant 0 : i32
    %dma_wait3A_164 = tpu.memref_slice %arg6[%dma_wait3A_162, %dma_wait3A_163] : memref<1000000x64xf32, #tpu.memory_space<hbm>> -> memref<1000000x64xf32, #tpu.memory_space<hbm>>
    tpu.wait_indirect_dma semaphore(%arg18 : memref<!tpu.dma_semaphore, #tpu.memory_space<semaphore_mem>>) src(%dma_wait3A_164 : memref<1000000x64xf32, #tpu.memory_space<hbm>>) dst(%dma_wait3A_158 : memref<128x64xf32, #tpu.memory_space<vmem>>)
    %dma_wait3A_165 = arith.constant 0 : i32
    %dma_wait3A_166 = arith.constant 0 : i32
    %dma_wait3A_167 = tpu.memref_slice %arg14[%dma_wait3A_166] : memref<512xf32, #tpu.memory_space<vmem>> -> memref<128xf32, #tpu.memory_space<vmem>>
    %dma_wait3A_168 = arith.constant 0 : i32
    %dma_wait3A_169 = tpu.memref_slice %arg10[%dma_wait3A_165, %dma_wait3A_168] : memref<4x128xi32, #tpu.memory_space<vmem>> -> memref<1x128xi32, #tpu.memory_space<vmem>>
    %dma_wait3A_170 = tpu.memref_squeeze %dma_wait3A_169 : memref<1x128xi32, #tpu.memory_space<vmem>> -> memref<128xi32, #tpu.memory_space<vmem>>
    %dma_wait3A_171 = arith.constant 0 : i32
    %dma_wait3A_172 = tpu.memref_slice %arg5[%dma_wait3A_171] : memref<1000000xf32, #tpu.memory_space<hbm>> -> memref<1000000xf32, #tpu.memory_space<hbm>>
    tpu.wait_indirect_dma semaphore(%arg18 : memref<!tpu.dma_semaphore, #tpu.memory_space<semaphore_mem>>) src(%dma_wait3A_172 : memref<1000000xf32, #tpu.memory_space<hbm>>) dst(%dma_wait3A_167 : memref<128xf32, #tpu.memory_space<vmem>>)
    %dma_wait3A_173 = arith.constant 0 : i32
    %dma_wait3A_174 = arith.constant 0 : i32
    %dma_wait3A_175 = tpu.memref_slice %arg15[%dma_wait3A_174] : memref<512xf32, #tpu.memory_space<vmem>> -> memref<128xf32, #tpu.memory_space<vmem>>
    %dma_wait3A_176 = arith.constant 0 : i32
    %dma_wait3A_177 = tpu.memref_slice %arg11[%dma_wait3A_173, %dma_wait3A_176] : memref<4x128xi32, #tpu.memory_space<vmem>> -> memref<1x128xi32, #tpu.memory_space<vmem>>
    %dma_wait3A_178 = tpu.memref_squeeze %dma_wait3A_177 : memref<1x128xi32, #tpu.memory_space<vmem>> -> memref<128xi32, #tpu.memory_space<vmem>>
    %dma_wait3A_179 = arith.constant 0 : i32
    %dma_wait3A_180 = tpu.memref_slice %arg7[%dma_wait3A_179] : memref<1000000xf32, #tpu.memory_space<hbm>> -> memref<1000000xf32, #tpu.memory_space<hbm>>
    tpu.wait_indirect_dma semaphore(%arg18 : memref<!tpu.dma_semaphore, #tpu.memory_space<semaphore_mem>>) src(%dma_wait3A_180 : memref<1000000xf32, #tpu.memory_space<hbm>>) dst(%dma_wait3A_175 : memref<128xf32, #tpu.memory_space<vmem>>)
    %dma_wait3A_181 = arith.constant 1 : i32
    %dma_wait3A_182 = arith.constant 128 : i32
    %dma_wait3A_183 = arith.constant 0 : i32
    %dma_wait3A_184 = tpu.memref_slice %arg12[%dma_wait3A_182, %dma_wait3A_183] : memref<512x64xf32, #tpu.memory_space<vmem>> -> memref<128x64xf32, #tpu.memory_space<vmem>>
    %dma_wait3A_185 = arith.constant 0 : i32
    %dma_wait3A_186 = tpu.memref_slice %arg10[%dma_wait3A_181, %dma_wait3A_185] : memref<4x128xi32, #tpu.memory_space<vmem>> -> memref<1x128xi32, #tpu.memory_space<vmem>>
    %dma_wait3A_187 = tpu.memref_squeeze %dma_wait3A_186 : memref<1x128xi32, #tpu.memory_space<vmem>> -> memref<128xi32, #tpu.memory_space<vmem>>
    %dma_wait3A_188 = arith.constant 0 : i32
    %dma_wait3A_189 = arith.constant 0 : i32
    %dma_wait3A_190 = tpu.memref_slice %arg4[%dma_wait3A_188, %dma_wait3A_189] : memref<1000000x64xf32, #tpu.memory_space<hbm>> -> memref<1000000x64xf32, #tpu.memory_space<hbm>>
    tpu.wait_indirect_dma semaphore(%arg18 : memref<!tpu.dma_semaphore, #tpu.memory_space<semaphore_mem>>) src(%dma_wait3A_190 : memref<1000000x64xf32, #tpu.memory_space<hbm>>) dst(%dma_wait3A_184 : memref<128x64xf32, #tpu.memory_space<vmem>>)
    %dma_wait3A_191 = arith.constant 1 : i32
    %dma_wait3A_192 = arith.constant 128 : i32
    %dma_wait3A_193 = arith.constant 0 : i32
    %dma_wait3A_194 = tpu.memref_slice %arg13[%dma_wait3A_192, %dma_wait3A_193] : memref<512x64xf32, #tpu.memory_space<vmem>> -> memref<128x64xf32, #tpu.memory_space<vmem>>
    %dma_wait3A_195 = arith.constant 0 : i32
    %dma_wait3A_196 = tpu.memref_slice %arg11[%dma_wait3A_191, %dma_wait3A_195] : memref<4x128xi32, #tpu.memory_space<vmem>> -> memref<1x128xi32, #tpu.memory_space<vmem>>
    %dma_wait3A_197 = tpu.memref_squeeze %dma_wait3A_196 : memref<1x128xi32, #tpu.memory_space<vmem>> -> memref<128xi32, #tpu.memory_space<vmem>>
    %dma_wait3A_198 = arith.constant 0 : i32
    %dma_wait3A_199 = arith.constant 0 : i32
    %dma_wait3A_200 = tpu.memref_slice %arg6[%dma_wait3A_198, %dma_wait3A_199] : memref<1000000x64xf32, #tpu.memory_space<hbm>> -> memref<1000000x64xf32, #tpu.memory_space<hbm>>
    tpu.wait_indirect_dma semaphore(%arg18 : memref<!tpu.dma_semaphore, #tpu.memory_space<semaphore_mem>>) src(%dma_wait3A_200 : memref<1000000x64xf32, #tpu.memory_space<hbm>>) dst(%dma_wait3A_194 : memref<128x64xf32, #tpu.memory_space<vmem>>)
    %dma_wait3A_201 = arith.constant 1 : i32
    %dma_wait3A_202 = arith.constant 128 : i32
    %dma_wait3A_203 = tpu.memref_slice %arg14[%dma_wait3A_202] : memref<512xf32, #tpu.memory_space<vmem>> -> memref<128xf32, #tpu.memory_space<vmem>>
    %dma_wait3A_204 = arith.constant 0 : i32
    %dma_wait3A_205 = tpu.memref_slice %arg10[%dma_wait3A_201, %dma_wait3A_204] : memref<4x128xi32, #tpu.memory_space<vmem>> -> memref<1x128xi32, #tpu.memory_space<vmem>>
    %dma_wait3A_206 = tpu.memref_squeeze %dma_wait3A_205 : memref<1x128xi32, #tpu.memory_space<vmem>> -> memref<128xi32, #tpu.memory_space<vmem>>
    %dma_wait3A_207 = arith.constant 0 : i32
    %dma_wait3A_208 = tpu.memref_slice %arg5[%dma_wait3A_207] : memref<1000000xf32, #tpu.memory_space<hbm>> -> memref<1000000xf32, #tpu.memory_space<hbm>>
    tpu.wait_indirect_dma semaphore(%arg18 : memref<!tpu.dma_semaphore, #tpu.memory_space<semaphore_mem>>) src(%dma_wait3A_208 : memref<1000000xf32, #tpu.memory_space<hbm>>) dst(%dma_wait3A_203 : memref<128xf32, #tpu.memory_space<vmem>>)
    %dma_wait3A_209 = arith.constant 1 : i32
    %dma_wait3A_210 = arith.constant 128 : i32
    %dma_wait3A_211 = tpu.memref_slice %arg15[%dma_wait3A_210] : memref<512xf32, #tpu.memory_space<vmem>> -> memref<128xf32, #tpu.memory_space<vmem>>
    %dma_wait3A_212 = arith.constant 0 : i32
    %dma_wait3A_213 = tpu.memref_slice %arg11[%dma_wait3A_209, %dma_wait3A_212] : memref<4x128xi32, #tpu.memory_space<vmem>> -> memref<1x128xi32, #tpu.memory_space<vmem>>
    %dma_wait3A_214 = tpu.memref_squeeze %dma_wait3A_213 : memref<1x128xi32, #tpu.memory_space<vmem>> -> memref<128xi32, #tpu.memory_space<vmem>>
    %dma_wait3A_215 = arith.constant 0 : i32
    %dma_wait3A_216 = tpu.memref_slice %arg7[%dma_wait3A_215] : memref<1000000xf32, #tpu.memory_space<hbm>> -> memref<1000000xf32, #tpu.memory_space<hbm>>
    tpu.wait_indirect_dma semaphore(%arg18 : memref<!tpu.dma_semaphore, #tpu.memory_space<semaphore_mem>>) src(%dma_wait3A_216 : memref<1000000xf32, #tpu.memory_space<hbm>>) dst(%dma_wait3A_211 : memref<128xf32, #tpu.memory_space<vmem>>)
    %dma_wait3A_217 = arith.constant 2 : i32
    %dma_wait3A_218 = arith.constant 256 : i32
    %dma_wait3A_219 = arith.constant 0 : i32
    %dma_wait3A_220 = tpu.memref_slice %arg12[%dma_wait3A_218, %dma_wait3A_219] : memref<512x64xf32, #tpu.memory_space<vmem>> -> memref<128x64xf32, #tpu.memory_space<vmem>>
    %dma_wait3A_221 = arith.constant 0 : i32
    %dma_wait3A_222 = tpu.memref_slice %arg10[%dma_wait3A_217, %dma_wait3A_221] : memref<4x128xi32, #tpu.memory_space<vmem>> -> memref<1x128xi32, #tpu.memory_space<vmem>>
    %dma_wait3A_223 = tpu.memref_squeeze %dma_wait3A_222 : memref<1x128xi32, #tpu.memory_space<vmem>> -> memref<128xi32, #tpu.memory_space<vmem>>
    %dma_wait3A_224 = arith.constant 0 : i32
    %dma_wait3A_225 = arith.constant 0 : i32
    %dma_wait3A_226 = tpu.memref_slice %arg4[%dma_wait3A_224, %dma_wait3A_225] : memref<1000000x64xf32, #tpu.memory_space<hbm>> -> memref<1000000x64xf32, #tpu.memory_space<hbm>>
    tpu.wait_indirect_dma semaphore(%arg18 : memref<!tpu.dma_semaphore, #tpu.memory_space<semaphore_mem>>) src(%dma_wait3A_226 : memref<1000000x64xf32, #tpu.memory_space<hbm>>) dst(%dma_wait3A_220 : memref<128x64xf32, #tpu.memory_space<vmem>>)
    %dma_wait3A_227 = arith.constant 2 : i32
    %dma_wait3A_228 = arith.constant 256 : i32
    %dma_wait3A_229 = arith.constant 0 : i32
    %dma_wait3A_230 = tpu.memref_slice %arg13[%dma_wait3A_228, %dma_wait3A_229] : memref<512x64xf32, #tpu.memory_space<vmem>> -> memref<128x64xf32, #tpu.memory_space<vmem>>
    %dma_wait3A_231 = arith.constant 0 : i32
    %dma_wait3A_232 = tpu.memref_slice %arg11[%dma_wait3A_227, %dma_wait3A_231] : memref<4x128xi32, #tpu.memory_space<vmem>> -> memref<1x128xi32, #tpu.memory_space<vmem>>
    %dma_wait3A_233 = tpu.memref_squeeze %dma_wait3A_232 : memref<1x128xi32, #tpu.memory_space<vmem>> -> memref<128xi32, #tpu.memory_space<vmem>>
    %dma_wait3A_234 = arith.constant 0 : i32
    %dma_wait3A_235 = arith.constant 0 : i32
    %dma_wait3A_236 = tpu.memref_slice %arg6[%dma_wait3A_234, %dma_wait3A_235] : memref<1000000x64xf32, #tpu.memory_space<hbm>> -> memref<1000000x64xf32, #tpu.memory_space<hbm>>
    tpu.wait_indirect_dma semaphore(%arg18 : memref<!tpu.dma_semaphore, #tpu.memory_space<semaphore_mem>>) src(%dma_wait3A_236 : memref<1000000x64xf32, #tpu.memory_space<hbm>>) dst(%dma_wait3A_230 : memref<128x64xf32, #tpu.memory_space<vmem>>)
    %dma_wait3A_237 = arith.constant 2 : i32
    %dma_wait3A_238 = arith.constant 256 : i32
    %dma_wait3A_239 = tpu.memref_slice %arg14[%dma_wait3A_238] : memref<512xf32, #tpu.memory_space<vmem>> -> memref<128xf32, #tpu.memory_space<vmem>>
    %dma_wait3A_240 = arith.constant 0 : i32
    %dma_wait3A_241 = tpu.memref_slice %arg10[%dma_wait3A_237, %dma_wait3A_240] : memref<4x128xi32, #tpu.memory_space<vmem>> -> memref<1x128xi32, #tpu.memory_space<vmem>>
    %dma_wait3A_242 = tpu.memref_squeeze %dma_wait3A_241 : memref<1x128xi32, #tpu.memory_space<vmem>> -> memref<128xi32, #tpu.memory_space<vmem>>
    %dma_wait3A_243 = arith.constant 0 : i32
    %dma_wait3A_244 = tpu.memref_slice %arg5[%dma_wait3A_243] : memref<1000000xf32, #tpu.memory_space<hbm>> -> memref<1000000xf32, #tpu.memory_space<hbm>>
    tpu.wait_indirect_dma semaphore(%arg18 : memref<!tpu.dma_semaphore, #tpu.memory_space<semaphore_mem>>) src(%dma_wait3A_244 : memref<1000000xf32, #tpu.memory_space<hbm>>) dst(%dma_wait3A_239 : memref<128xf32, #tpu.memory_space<vmem>>)
    %dma_wait3A_245 = arith.constant 2 : i32
    %dma_wait3A_246 = arith.constant 256 : i32
    %dma_wait3A_247 = tpu.memref_slice %arg15[%dma_wait3A_246] : memref<512xf32, #tpu.memory_space<vmem>> -> memref<128xf32, #tpu.memory_space<vmem>>
    %dma_wait3A_248 = arith.constant 0 : i32
    %dma_wait3A_249 = tpu.memref_slice %arg11[%dma_wait3A_245, %dma_wait3A_248] : memref<4x128xi32, #tpu.memory_space<vmem>> -> memref<1x128xi32, #tpu.memory_space<vmem>>
    %dma_wait3A_250 = tpu.memref_squeeze %dma_wait3A_249 : memref<1x128xi32, #tpu.memory_space<vmem>> -> memref<128xi32, #tpu.memory_space<vmem>>
    %dma_wait3A_251 = arith.constant 0 : i32
    %dma_wait3A_252 = tpu.memref_slice %arg7[%dma_wait3A_251] : memref<1000000xf32, #tpu.memory_space<hbm>> -> memref<1000000xf32, #tpu.memory_space<hbm>>
    tpu.wait_indirect_dma semaphore(%arg18 : memref<!tpu.dma_semaphore, #tpu.memory_space<semaphore_mem>>) src(%dma_wait3A_252 : memref<1000000xf32, #tpu.memory_space<hbm>>) dst(%dma_wait3A_247 : memref<128xf32, #tpu.memory_space<vmem>>)
    %dma_wait3A_253 = arith.constant 3 : i32
    %dma_wait3A_254 = arith.constant 384 : i32
    %dma_wait3A_255 = arith.constant 0 : i32
    %dma_wait3A_256 = tpu.memref_slice %arg12[%dma_wait3A_254, %dma_wait3A_255] : memref<512x64xf32, #tpu.memory_space<vmem>> -> memref<128x64xf32, #tpu.memory_space<vmem>>
    %dma_wait3A_257 = arith.constant 0 : i32
    %dma_wait3A_258 = tpu.memref_slice %arg10[%dma_wait3A_253, %dma_wait3A_257] : memref<4x128xi32, #tpu.memory_space<vmem>> -> memref<1x128xi32, #tpu.memory_space<vmem>>
    %dma_wait3A_259 = tpu.memref_squeeze %dma_wait3A_258 : memref<1x128xi32, #tpu.memory_space<vmem>> -> memref<128xi32, #tpu.memory_space<vmem>>
    %dma_wait3A_260 = arith.constant 0 : i32
    %dma_wait3A_261 = arith.constant 0 : i32
    %dma_wait3A_262 = tpu.memref_slice %arg4[%dma_wait3A_260, %dma_wait3A_261] : memref<1000000x64xf32, #tpu.memory_space<hbm>> -> memref<1000000x64xf32, #tpu.memory_space<hbm>>
    tpu.wait_indirect_dma semaphore(%arg18 : memref<!tpu.dma_semaphore, #tpu.memory_space<semaphore_mem>>) src(%dma_wait3A_262 : memref<1000000x64xf32, #tpu.memory_space<hbm>>) dst(%dma_wait3A_256 : memref<128x64xf32, #tpu.memory_space<vmem>>)
    %dma_wait3A_263 = arith.constant 3 : i32
    %dma_wait3A_264 = arith.constant 384 : i32
    %dma_wait3A_265 = arith.constant 0 : i32
    %dma_wait3A_266 = tpu.memref_slice %arg13[%dma_wait3A_264, %dma_wait3A_265] : memref<512x64xf32, #tpu.memory_space<vmem>> -> memref<128x64xf32, #tpu.memory_space<vmem>>
    %dma_wait3A_267 = arith.constant 0 : i32
    %dma_wait3A_268 = tpu.memref_slice %arg11[%dma_wait3A_263, %dma_wait3A_267] : memref<4x128xi32, #tpu.memory_space<vmem>> -> memref<1x128xi32, #tpu.memory_space<vmem>>
    %dma_wait3A_269 = tpu.memref_squeeze %dma_wait3A_268 : memref<1x128xi32, #tpu.memory_space<vmem>> -> memref<128xi32, #tpu.memory_space<vmem>>
    %dma_wait3A_270 = arith.constant 0 : i32
    %dma_wait3A_271 = arith.constant 0 : i32
    %dma_wait3A_272 = tpu.memref_slice %arg6[%dma_wait3A_270, %dma_wait3A_271] : memref<1000000x64xf32, #tpu.memory_space<hbm>> -> memref<1000000x64xf32, #tpu.memory_space<hbm>>
    tpu.wait_indirect_dma semaphore(%arg18 : memref<!tpu.dma_semaphore, #tpu.memory_space<semaphore_mem>>) src(%dma_wait3A_272 : memref<1000000x64xf32, #tpu.memory_space<hbm>>) dst(%dma_wait3A_266 : memref<128x64xf32, #tpu.memory_space<vmem>>)
    %dma_wait3A_273 = arith.constant 3 : i32
    %dma_wait3A_274 = arith.constant 384 : i32
    %dma_wait3A_275 = tpu.memref_slice %arg14[%dma_wait3A_274] : memref<512xf32, #tpu.memory_space<vmem>> -> memref<128xf32, #tpu.memory_space<vmem>>
    %dma_wait3A_276 = arith.constant 0 : i32
    %dma_wait3A_277 = tpu.memref_slice %arg10[%dma_wait3A_273, %dma_wait3A_276] : memref<4x128xi32, #tpu.memory_space<vmem>> -> memref<1x128xi32, #tpu.memory_space<vmem>>
    %dma_wait3A_278 = tpu.memref_squeeze %dma_wait3A_277 : memref<1x128xi32, #tpu.memory_space<vmem>> -> memref<128xi32, #tpu.memory_space<vmem>>
    %dma_wait3A_279 = arith.constant 0 : i32
    %dma_wait3A_280 = tpu.memref_slice %arg5[%dma_wait3A_279] : memref<1000000xf32, #tpu.memory_space<hbm>> -> memref<1000000xf32, #tpu.memory_space<hbm>>
    tpu.wait_indirect_dma semaphore(%arg18 : memref<!tpu.dma_semaphore, #tpu.memory_space<semaphore_mem>>) src(%dma_wait3A_280 : memref<1000000xf32, #tpu.memory_space<hbm>>) dst(%dma_wait3A_275 : memref<128xf32, #tpu.memory_space<vmem>>)
    %dma_wait3A_281 = arith.constant 3 : i32
    %dma_wait3A_282 = arith.constant 384 : i32
    %dma_wait3A_283 = tpu.memref_slice %arg15[%dma_wait3A_282] : memref<512xf32, #tpu.memory_space<vmem>> -> memref<128xf32, #tpu.memory_space<vmem>>
    %dma_wait3A_284 = arith.constant 0 : i32
    %dma_wait3A_285 = tpu.memref_slice %arg11[%dma_wait3A_281, %dma_wait3A_284] : memref<4x128xi32, #tpu.memory_space<vmem>> -> memref<1x128xi32, #tpu.memory_space<vmem>>
    %dma_wait3A_286 = tpu.memref_squeeze %dma_wait3A_285 : memref<1x128xi32, #tpu.memory_space<vmem>> -> memref<128xi32, #tpu.memory_space<vmem>>
    %dma_wait3A_287 = arith.constant 0 : i32
    %dma_wait3A_288 = tpu.memref_slice %arg7[%dma_wait3A_287] : memref<1000000xf32, #tpu.memory_space<hbm>> -> memref<1000000xf32, #tpu.memory_space<hbm>>
    tpu.wait_indirect_dma semaphore(%arg18 : memref<!tpu.dma_semaphore, #tpu.memory_space<semaphore_mem>>) src(%dma_wait3A_288 : memref<1000000xf32, #tpu.memory_space<hbm>>) dst(%dma_wait3A_283 : memref<128xf32, #tpu.memory_space<vmem>>)
    %get3A = arith.constant 0 : index
    %get3A_289 = tpu.vector_load %arg17[%get3A] {strides = array<i32>} : memref<16xf32, #tpu.memory_space<vmem>>, vector<16xf32>,
    %iota3A = tpu.iota {dimensions = array<i32: 0>} : vector<16xi32>
    %scan3A = arith.constant 0 : i32
    %scan3A_290 = arith.constant 0 : i32
    %scan3A_291 = arith.constant 32 : i32
    %scan3A_292 = arith.addi %scan3A_290, %scan3A_291 : i32
    %scan3A_293 = arith.constant 1 : i32
    %scan3A_294 = scf.for %scan3A_296 = %scan3A_290 to %scan3A_292 step %scan3A_293 iter_args(%scan3A_297 = %scan3A) -> (i32)  : i32 {
      %mul3A_298 = arith.constant 16 : i32
      %mul3A_299 = arith.muli %scan3A_296, %mul3A_298 : i32
      %broadcast_in_dim3A = arith.constant 0.000000e+00 : f32
      %broadcast_in_dim3A_300 = vector.broadcast %broadcast_in_dim3A : f32 to vector<16xf32>
      %mul3A_301 = arith.constant 16 : i32
      %mul3A_302 = arith.muli %scan3A_296, %mul3A_301 : i32
      %add3A_303 = arith.constant 0 : i32
      %add3A_304 = arith.addi %mul3A_302, %add3A_303 : i32
      %get3A_305 = arith.index_cast %add3A_304 : i32 to index
      %get3A_306 = arith.constant 0 : index
      %get3A_307 = tpu.vector_load %arg12[%get3A_305, %get3A_306] {strides = array<i32>} : memref<512x64xf32, #tpu.memory_space<vmem>>, vector<16xf32>,
      %get3A_308 = arith.index_cast %add3A_304 : i32 to index
      %get3A_309 = arith.constant 0 : index
      %get3A_310 = tpu.vector_load %arg13[%get3A_308, %get3A_309] {strides = array<i32>} : memref<512x64xf32, #tpu.memory_space<vmem>>, vector<16xf32>,
      %mul3A_311 = arith.mulf %get3A_307, %get3A_310 : vector<16xf32>
      %get3A_312 = arith.index_cast %add3A_304 : i32 to index
      %get3A_313 = arith.constant 16 : index
      %get3A_314 = tpu.vector_load %arg12[%get3A_312, %get3A_313] {strides = array<i32>} : memref<512x64xf32, #tpu.memory_space<vmem>>, vector<16xf32>,
      %get3A_315 = arith.index_cast %add3A_304 : i32 to index
      %get3A_316 = arith.constant 16 : index
      %get3A_317 = tpu.vector_load %arg13[%get3A_315, %get3A_316] {strides = array<i32>} : memref<512x64xf32, #tpu.memory_space<vmem>>, vector<16xf32>,
      %mul3A_318 = arith.mulf %get3A_314, %get3A_317 : vector<16xf32>
      %add3A_319 = arith.addf %mul3A_311, %mul3A_318 : vector<16xf32>
      %get3A_320 = arith.index_cast %add3A_304 : i32 to index
      %get3A_321 = arith.constant 32 : index
      %get3A_322 = tpu.vector_load %arg12[%get3A_320, %get3A_321] {strides = array<i32>} : memref<512x64xf32, #tpu.memory_space<vmem>>, vector<16xf32>,
      %get3A_323 = arith.index_cast %add3A_304 : i32 to index
      %get3A_324 = arith.constant 32 : index
      %get3A_325 = tpu.vector_load %arg13[%get3A_323, %get3A_324] {strides = array<i32>} : memref<512x64xf32, #tpu.memory_space<vmem>>, vector<16xf32>,
      %mul3A_326 = arith.mulf %get3A_322, %get3A_325 : vector<16xf32>
      %add3A_327 = arith.addf %add3A_319, %mul3A_326 : vector<16xf32>
      %get3A_328 = arith.index_cast %add3A_304 : i32 to index
      %get3A_329 = arith.constant 48 : index
      %get3A_330 = tpu.vector_load %arg12[%get3A_328, %get3A_329] {strides = array<i32>} : memref<512x64xf32, #tpu.memory_space<vmem>>, vector<16xf32>,
      %get3A_331 = arith.index_cast %add3A_304 : i32 to index
      %get3A_332 = arith.constant 48 : index
      %get3A_333 = tpu.vector_load %arg13[%get3A_331, %get3A_332] {strides = array<i32>} : memref<512x64xf32, #tpu.memory_space<vmem>>, vector<16xf32>,
      %mul3A_334 = arith.mulf %get3A_330, %get3A_333 : vector<16xf32>
      %add3A_335 = arith.addf %add3A_327, %mul3A_334 : vector<16xf32>
      %reduce_sum3A = arith.constant true
      %reduce_sum3A_336 = vector.broadcast %reduce_sum3A : i1 to vector<16xi1>
      %reduce_sum3A_337 = tpu.scan <sum>, %add3A_335 masked %reduce_sum3A_336 : vector<16xf32>, vector<16xi1> -> vector<16xf32>
      %reduce_sum3A_338 = vector.extract %reduce_sum3A_337[15] : f32 from vector<16xf32>
      %eq3A = arith.constant 0 : i32
      %eq3A_339 = vector.broadcast %eq3A : i32 to vector<16xi32>
      %eq3A_340 = arith.cmpi eq, %iota3A, %eq3A_339 : vector<16xi32>
      %broadcast_in_dim3A_341 = vector.broadcast %reduce_sum3A_338 : f32 to vector<16xf32>
      %select_n3A = arith.select %eq3A_340, %broadcast_in_dim3A_341, %broadcast_in_dim3A_300 : vector<16xi1>, vector<16xf32>
      %mul3A_342 = arith.constant 16 : i32
      %mul3A_343 = arith.muli %scan3A_296, %mul3A_342 : i32
      %add3A_344 = arith.constant 1 : i32
      %add3A_345 = arith.addi %mul3A_343, %add3A_344 : i32
      %get3A_346 = arith.index_cast %add3A_345 : i32 to index
      %get3A_347 = arith.constant 0 : index
      %get3A_348 = tpu.vector_load %arg12[%get3A_346, %get3A_347] {strides = array<i32>} : memref<512x64xf32, #tpu.memory_space<vmem>>, vector<16xf32>,
      %get3A_349 = arith.index_cast %add3A_345 : i32 to index
      %get3A_350 = arith.constant 0 : index
      %get3A_351 = tpu.vector_load %arg13[%get3A_349, %get3A_350] {strides = array<i32>} : memref<512x64xf32, #tpu.memory_space<vmem>>, vector<16xf32>,
      %mul3A_352 = arith.mulf %get3A_348, %get3A_351 : vector<16xf32>
      %get3A_353 = arith.index_cast %add3A_345 : i32 to index
      %get3A_354 = arith.constant 16 : index
      %get3A_355 = tpu.vector_load %arg12[%get3A_353, %get3A_354] {strides = array<i32>} : memref<512x64xf32, #tpu.memory_space<vmem>>, vector<16xf32>,
      %get3A_356 = arith.index_cast %add3A_345 : i32 to index
      %get3A_357 = arith.constant 16 : index
      %get3A_358 = tpu.vector_load %arg13[%get3A_356, %get3A_357] {strides = array<i32>} : memref<512x64xf32, #tpu.memory_space<vmem>>, vector<16xf32>,
      %mul3A_359 = arith.mulf %get3A_355, %get3A_358 : vector<16xf32>
      %add3A_360 = arith.addf %mul3A_352, %mul3A_359 : vector<16xf32>
      %get3A_361 = arith.index_cast %add3A_345 : i32 to index
      %get3A_362 = arith.constant 32 : index
      %get3A_363 = tpu.vector_load %arg12[%get3A_361, %get3A_362] {strides = array<i32>} : memref<512x64xf32, #tpu.memory_space<vmem>>, vector<16xf32>,
      %get3A_364 = arith.index_cast %add3A_345 : i32 to index
      %get3A_365 = arith.constant 32 : index
      %get3A_366 = tpu.vector_load %arg13[%get3A_364, %get3A_365] {strides = array<i32>} : memref<512x64xf32, #tpu.memory_space<vmem>>, vector<16xf32>,
      %mul3A_367 = arith.mulf %get3A_363, %get3A_366 : vector<16xf32>
      %add3A_368 = arith.addf %add3A_360, %mul3A_367 : vector<16xf32>
      %get3A_369 = arith.index_cast %add3A_345 : i32 to index
      %get3A_370 = arith.constant 48 : index
      %get3A_371 = tpu.vector_load %arg12[%get3A_369, %get3A_370] {strides = array<i32>} : memref<512x64xf32, #tpu.memory_space<vmem>>, vector<16xf32>,
      %get3A_372 = arith.index_cast %add3A_345 : i32 to index
      %get3A_373 = arith.constant 48 : index
      %get3A_374 = tpu.vector_load %arg13[%get3A_372, %get3A_373] {strides = array<i32>} : memref<512x64xf32, #tpu.memory_space<vmem>>, vector<16xf32>,
      %mul3A_375 = arith.mulf %get3A_371, %get3A_374 : vector<16xf32>
      %add3A_376 = arith.addf %add3A_368, %mul3A_375 : vector<16xf32>
      %reduce_sum3A_377 = arith.constant true
      %reduce_sum3A_378 = vector.broadcast %reduce_sum3A_377 : i1 to vector<16xi1>
      %reduce_sum3A_379 = tpu.scan <sum>, %add3A_376 masked %reduce_sum3A_378 : vector<16xf32>, vector<16xi1> -> vector<16xf32>
      %reduce_sum3A_380 = vector.extract %reduce_sum3A_379[15] : f32 from vector<16xf32>
      %eq3A_381 = arith.constant 1 : i32
      %eq3A_382 = vector.broadcast %eq3A_381 : i32 to vector<16xi32>
      %eq3A_383 = arith.cmpi eq, %iota3A, %eq3A_382 : vector<16xi32>
      %broadcast_in_dim3A_384 = vector.broadcast %reduce_sum3A_380 : f32 to vector<16xf32>
      %select_n3A_385 = arith.select %eq3A_383, %broadcast_in_dim3A_384, %select_n3A : vector<16xi1>, vector<16xf32>
      %mul3A_386 = arith.constant 16 : i32
      %mul3A_387 = arith.muli %scan3A_296, %mul3A_386 : i32
      %add3A_388 = arith.constant 2 : i32
      %add3A_389 = arith.addi %mul3A_387, %add3A_388 : i32
      %get3A_390 = arith.index_cast %add3A_389 : i32 to index
      %get3A_391 = arith.constant 0 : index
      %get3A_392 = tpu.vector_load %arg12[%get3A_390, %get3A_391] {strides = array<i32>} : memref<512x64xf32, #tpu.memory_space<vmem>>, vector<16xf32>,
      %get3A_393 = arith.index_cast %add3A_389 : i32 to index
      %get3A_394 = arith.constant 0 : index
      %get3A_395 = tpu.vector_load %arg13[%get3A_393, %get3A_394] {strides = array<i32>} : memref<512x64xf32, #tpu.memory_space<vmem>>, vector<16xf32>,
      %mul3A_396 = arith.mulf %get3A_392, %get3A_395 : vector<16xf32>
      %get3A_397 = arith.index_cast %add3A_389 : i32 to index
      %get3A_398 = arith.constant 16 : index
      %get3A_399 = tpu.vector_load %arg12[%get3A_397, %get3A_398] {strides = array<i32>} : memref<512x64xf32, #tpu.memory_space<vmem>>, vector<16xf32>,
      %get3A_400 = arith.index_cast %add3A_389 : i32 to index
      %get3A_401 = arith.constant 16 : index
      %get3A_402 = tpu.vector_load %arg13[%get3A_400, %get3A_401] {strides = array<i32>} : memref<512x64xf32, #tpu.memory_space<vmem>>, vector<16xf32>,
      %mul3A_403 = arith.mulf %get3A_399, %get3A_402 : vector<16xf32>
      %add3A_404 = arith.addf %mul3A_396, %mul3A_403 : vector<16xf32>
      %get3A_405 = arith.index_cast %add3A_389 : i32 to index
      %get3A_406 = arith.constant 32 : index
      %get3A_407 = tpu.vector_load %arg12[%get3A_405, %get3A_406] {strides = array<i32>} : memref<512x64xf32, #tpu.memory_space<vmem>>, vector<16xf32>,
      %get3A_408 = arith.index_cast %add3A_389 : i32 to index
      %get3A_409 = arith.constant 32 : index
      %get3A_410 = tpu.vector_load %arg13[%get3A_408, %get3A_409] {strides = array<i32>} : memref<512x64xf32, #tpu.memory_space<vmem>>, vector<16xf32>,
      %mul3A_411 = arith.mulf %get3A_407, %get3A_410 : vector<16xf32>
      %add3A_412 = arith.addf %add3A_404, %mul3A_411 : vector<16xf32>
      %get3A_413 = arith.index_cast %add3A_389 : i32 to index
      %get3A_414 = arith.constant 48 : index
      %get3A_415 = tpu.vector_load %arg12[%get3A_413, %get3A_414] {strides = array<i32>} : memref<512x64xf32, #tpu.memory_space<vmem>>, vector<16xf32>,
      %get3A_416 = arith.index_cast %add3A_389 : i32 to index
      %get3A_417 = arith.constant 48 : index
      %get3A_418 = tpu.vector_load %arg13[%get3A_416, %get3A_417] {strides = array<i32>} : memref<512x64xf32, #tpu.memory_space<vmem>>, vector<16xf32>,
      %mul3A_419 = arith.mulf %get3A_415, %get3A_418 : vector<16xf32>
      %add3A_420 = arith.addf %add3A_412, %mul3A_419 : vector<16xf32>
      %reduce_sum3A_421 = arith.constant true
      %reduce_sum3A_422 = vector.broadcast %reduce_sum3A_421 : i1 to vector<16xi1>
      %reduce_sum3A_423 = tpu.scan <sum>, %add3A_420 masked %reduce_sum3A_422 : vector<16xf32>, vector<16xi1> -> vector<16xf32>
      %reduce_sum3A_424 = vector.extract %reduce_sum3A_423[15] : f32 from vector<16xf32>
      %eq3A_425 = arith.constant 2 : i32
      %eq3A_426 = vector.broadcast %eq3A_425 : i32 to vector<16xi32>
      %eq3A_427 = arith.cmpi eq, %iota3A, %eq3A_426 : vector<16xi32>
      %broadcast_in_dim3A_428 = vector.broadcast %reduce_sum3A_424 : f32 to vector<16xf32>
      %select_n3A_429 = arith.select %eq3A_427, %broadcast_in_dim3A_428, %select_n3A_385 : vector<16xi1>, vector<16xf32>
      %mul3A_430 = arith.constant 16 : i32
      %mul3A_431 = arith.muli %scan3A_296, %mul3A_430 : i32
      %add3A_432 = arith.constant 3 : i32
      %add3A_433 = arith.addi %mul3A_431, %add3A_432 : i32
      %get3A_434 = arith.index_cast %add3A_433 : i32 to index
      %get3A_435 = arith.constant 0 : index
      %get3A_436 = tpu.vector_load %arg12[%get3A_434, %get3A_435] {strides = array<i32>} : memref<512x64xf32, #tpu.memory_space<vmem>>, vector<16xf32>,
      %get3A_437 = arith.index_cast %add3A_433 : i32 to index
      %get3A_438 = arith.constant 0 : index
      %get3A_439 = tpu.vector_load %arg13[%get3A_437, %get3A_438] {strides = array<i32>} : memref<512x64xf32, #tpu.memory_space<vmem>>, vector<16xf32>,
      %mul3A_440 = arith.mulf %get3A_436, %get3A_439 : vector<16xf32>
      %get3A_441 = arith.index_cast %add3A_433 : i32 to index
      %get3A_442 = arith.constant 16 : index
      %get3A_443 = tpu.vector_load %arg12[%get3A_441, %get3A_442] {strides = array<i32>} : memref<512x64xf32, #tpu.memory_space<vmem>>, vector<16xf32>,
      %get3A_444 = arith.index_cast %add3A_433 : i32 to index
      %get3A_445 = arith.constant 16 : index
      %get3A_446 = tpu.vector_load %arg13[%get3A_444, %get3A_445] {strides = array<i32>} : memref<512x64xf32, #tpu.memory_space<vmem>>, vector<16xf32>,
      %mul3A_447 = arith.mulf %get3A_443, %get3A_446 : vector<16xf32>
      %add3A_448 = arith.addf %mul3A_440, %mul3A_447 : vector<16xf32>
      %get3A_449 = arith.index_cast %add3A_433 : i32 to index
      %get3A_450 = arith.constant 32 : index
      %get3A_451 = tpu.vector_load %arg12[%get3A_449, %get3A_450] {strides = array<i32>} : memref<512x64xf32, #tpu.memory_space<vmem>>, vector<16xf32>,
      %get3A_452 = arith.index_cast %add3A_433 : i32 to index
      %get3A_453 = arith.constant 32 : index
      %get3A_454 = tpu.vector_load %arg13[%get3A_452, %get3A_453] {strides = array<i32>} : memref<512x64xf32, #tpu.memory_space<vmem>>, vector<16xf32>,
      %mul3A_455 = arith.mulf %get3A_451, %get3A_454 : vector<16xf32>
      %add3A_456 = arith.addf %add3A_448, %mul3A_455 : vector<16xf32>
      %get3A_457 = arith.index_cast %add3A_433 : i32 to index
      %get3A_458 = arith.constant 48 : index
      %get3A_459 = tpu.vector_load %arg12[%get3A_457, %get3A_458] {strides = array<i32>} : memref<512x64xf32, #tpu.memory_space<vmem>>, vector<16xf32>,
      %get3A_460 = arith.index_cast %add3A_433 : i32 to index
      %get3A_461 = arith.constant 48 : index
      %get3A_462 = tpu.vector_load %arg13[%get3A_460, %get3A_461] {strides = array<i32>} : memref<512x64xf32, #tpu.memory_space<vmem>>, vector<16xf32>,
      %mul3A_463 = arith.mulf %get3A_459, %get3A_462 : vector<16xf32>
      %add3A_464 = arith.addf %add3A_456, %mul3A_463 : vector<16xf32>
      %reduce_sum3A_465 = arith.constant true
      %reduce_sum3A_466 = vector.broadcast %reduce_sum3A_465 : i1 to vector<16xi1>
      %reduce_sum3A_467 = tpu.scan <sum>, %add3A_464 masked %reduce_sum3A_466 : vector<16xf32>, vector<16xi1> -> vector<16xf32>
      %reduce_sum3A_468 = vector.extract %reduce_sum3A_467[15] : f32 from vector<16xf32>
      %eq3A_469 = arith.constant 3 : i32
      %eq3A_470 = vector.broadcast %eq3A_469 : i32 to vector<16xi32>
      %eq3A_471 = arith.cmpi eq, %iota3A, %eq3A_470 : vector<16xi32>
      %broadcast_in_dim3A_472 = vector.broadcast %reduce_sum3A_468 : f32 to vector<16xf32>
      %select_n3A_473 = arith.select %eq3A_471, %broadcast_in_dim3A_472, %select_n3A_429 : vector<16xi1>, vector<16xf32>
      %mul3A_474 = arith.constant 16 : i32
      %mul3A_475 = arith.muli %scan3A_296, %mul3A_474 : i32
      %add3A_476 = arith.constant 4 : i32
      %add3A_477 = arith.addi %mul3A_475, %add3A_476 : i32
      %get3A_478 = arith.index_cast %add3A_477 : i32 to index
      %get3A_479 = arith.constant 0 : index
      %get3A_480 = tpu.vector_load %arg12[%get3A_478, %get3A_479] {strides = array<i32>} : memref<512x64xf32, #tpu.memory_space<vmem>>, vector<16xf32>,
      %get3A_481 = arith.index_cast %add3A_477 : i32 to index
      %get3A_482 = arith.constant 0 : index
      %get3A_483 = tpu.vector_load %arg13[%get3A_481, %get3A_482] {strides = array<i32>} : memref<512x64xf32, #tpu.memory_space<vmem>>, vector<16xf32>,
      %mul3A_484 = arith.mulf %get3A_480, %get3A_483 : vector<16xf32>
      %get3A_485 = arith.index_cast %add3A_477 : i32 to index
      %get3A_486 = arith.constant 16 : index
      %get3A_487 = tpu.vector_load %arg12[%get3A_485, %get3A_486] {strides = array<i32>} : memref<512x64xf32, #tpu.memory_space<vmem>>, vector<16xf32>,
      %get3A_488 = arith.index_cast %add3A_477 : i32 to index
      %get3A_489 = arith.constant 16 : index
      %get3A_490 = tpu.vector_load %arg13[%get3A_488, %get3A_489] {strides = array<i32>} : memref<512x64xf32, #tpu.memory_space<vmem>>, vector<16xf32>,
      %mul3A_491 = arith.mulf %get3A_487, %get3A_490 : vector<16xf32>
      %add3A_492 = arith.addf %mul3A_484, %mul3A_491 : vector<16xf32>
      %get3A_493 = arith.index_cast %add3A_477 : i32 to index
      %get3A_494 = arith.constant 32 : index
      %get3A_495 = tpu.vector_load %arg12[%get3A_493, %get3A_494] {strides = array<i32>} : memref<512x64xf32, #tpu.memory_space<vmem>>, vector<16xf32>,
      %get3A_496 = arith.index_cast %add3A_477 : i32 to index
      %get3A_497 = arith.constant 32 : index
      %get3A_498 = tpu.vector_load %arg13[%get3A_496, %get3A_497] {strides = array<i32>} : memref<512x64xf32, #tpu.memory_space<vmem>>, vector<16xf32>,
      %mul3A_499 = arith.mulf %get3A_495, %get3A_498 : vector<16xf32>
      %add3A_500 = arith.addf %add3A_492, %mul3A_499 : vector<16xf32>
      %get3A_501 = arith.index_cast %add3A_477 : i32 to index
      %get3A_502 = arith.constant 48 : index
      %get3A_503 = tpu.vector_load %arg12[%get3A_501, %get3A_502] {strides = array<i32>} : memref<512x64xf32, #tpu.memory_space<vmem>>, vector<16xf32>,
      %get3A_504 = arith.index_cast %add3A_477 : i32 to index
      %get3A_505 = arith.constant 48 : index
      %get3A_506 = tpu.vector_load %arg13[%get3A_504, %get3A_505] {strides = array<i32>} : memref<512x64xf32, #tpu.memory_space<vmem>>, vector<16xf32>,
      %mul3A_507 = arith.mulf %get3A_503, %get3A_506 : vector<16xf32>
      %add3A_508 = arith.addf %add3A_500, %mul3A_507 : vector<16xf32>
      %reduce_sum3A_509 = arith.constant true
      %reduce_sum3A_510 = vector.broadcast %reduce_sum3A_509 : i1 to vector<16xi1>
      %reduce_sum3A_511 = tpu.scan <sum>, %add3A_508 masked %reduce_sum3A_510 : vector<16xf32>, vector<16xi1> -> vector<16xf32>
      %reduce_sum3A_512 = vector.extract %reduce_sum3A_511[15] : f32 from vector<16xf32>
      %eq3A_513 = arith.constant 4 : i32
      %eq3A_514 = vector.broadcast %eq3A_513 : i32 to vector<16xi32>
      %eq3A_515 = arith.cmpi eq, %iota3A, %eq3A_514 : vector<16xi32>
      %broadcast_in_dim3A_516 = vector.broadcast %reduce_sum3A_512 : f32 to vector<16xf32>
      %select_n3A_517 = arith.select %eq3A_515, %broadcast_in_dim3A_516, %select_n3A_473 : vector<16xi1>, vector<16xf32>
      %mul3A_518 = arith.constant 16 : i32
      %mul3A_519 = arith.muli %scan3A_296, %mul3A_518 : i32
      %add3A_520 = arith.constant 5 : i32
      %add3A_521 = arith.addi %mul3A_519, %add3A_520 : i32
      %get3A_522 = arith.index_cast %add3A_521 : i32 to index
      %get3A_523 = arith.constant 0 : index
      %get3A_524 = tpu.vector_load %arg12[%get3A_522, %get3A_523] {strides = array<i32>} : memref<512x64xf32, #tpu.memory_space<vmem>>, vector<16xf32>,
      %get3A_525 = arith.index_cast %add3A_521 : i32 to index
      %get3A_526 = arith.constant 0 : index
      %get3A_527 = tpu.vector_load %arg13[%get3A_525, %get3A_526] {strides = array<i32>} : memref<512x64xf32, #tpu.memory_space<vmem>>, vector<16xf32>,
      %mul3A_528 = arith.mulf %get3A_524, %get3A_527 : vector<16xf32>
      %get3A_529 = arith.index_cast %add3A_521 : i32 to index
      %get3A_530 = arith.constant 16 : index
      %get3A_531 = tpu.vector_load %arg12[%get3A_529, %get3A_530] {strides = array<i32>} : memref<512x64xf32, #tpu.memory_space<vmem>>, vector<16xf32>,
      %get3A_532 = arith.index_cast %add3A_521 : i32 to index
      %get3A_533 = arith.constant 16 : index
      %get3A_534 = tpu.vector_load %arg13[%get3A_532, %get3A_533] {strides = array<i32>} : memref<512x64xf32, #tpu.memory_space<vmem>>, vector<16xf32>,
      %mul3A_535 = arith.mulf %get3A_531, %get3A_534 : vector<16xf32>
      %add3A_536 = arith.addf %mul3A_528, %mul3A_535 : vector<16xf32>
      %get3A_537 = arith.index_cast %add3A_521 : i32 to index
      %get3A_538 = arith.constant 32 : index
      %get3A_539 = tpu.vector_load %arg12[%get3A_537, %get3A_538] {strides = array<i32>} : memref<512x64xf32, #tpu.memory_space<vmem>>, vector<16xf32>,
      %get3A_540 = arith.index_cast %add3A_521 : i32 to index
      %get3A_541 = arith.constant 32 : index
      %get3A_542 = tpu.vector_load %arg13[%get3A_540, %get3A_541] {strides = array<i32>} : memref<512x64xf32, #tpu.memory_space<vmem>>, vector<16xf32>,
      %mul3A_543 = arith.mulf %get3A_539, %get3A_542 : vector<16xf32>
      %add3A_544 = arith.addf %add3A_536, %mul3A_543 : vector<16xf32>
      %get3A_545 = arith.index_cast %add3A_521 : i32 to index
      %get3A_546 = arith.constant 48 : index
      %get3A_547 = tpu.vector_load %arg12[%get3A_545, %get3A_546] {strides = array<i32>} : memref<512x64xf32, #tpu.memory_space<vmem>>, vector<16xf32>,
      %get3A_548 = arith.index_cast %add3A_521 : i32 to index
      %get3A_549 = arith.constant 48 : index
      %get3A_550 = tpu.vector_load %arg13[%get3A_548, %get3A_549] {strides = array<i32>} : memref<512x64xf32, #tpu.memory_space<vmem>>, vector<16xf32>,
      %mul3A_551 = arith.mulf %get3A_547, %get3A_550 : vector<16xf32>
      %add3A_552 = arith.addf %add3A_544, %mul3A_551 : vector<16xf32>
      %reduce_sum3A_553 = arith.constant true
      %reduce_sum3A_554 = vector.broadcast %reduce_sum3A_553 : i1 to vector<16xi1>
      %reduce_sum3A_555 = tpu.scan <sum>, %add3A_552 masked %reduce_sum3A_554 : vector<16xf32>, vector<16xi1> -> vector<16xf32>
      %reduce_sum3A_556 = vector.extract %reduce_sum3A_555[15] : f32 from vector<16xf32>
      %eq3A_557 = arith.constant 5 : i32
      %eq3A_558 = vector.broadcast %eq3A_557 : i32 to vector<16xi32>
      %eq3A_559 = arith.cmpi eq, %iota3A, %eq3A_558 : vector<16xi32>
      %broadcast_in_dim3A_560 = vector.broadcast %reduce_sum3A_556 : f32 to vector<16xf32>
      %select_n3A_561 = arith.select %eq3A_559, %broadcast_in_dim3A_560, %select_n3A_517 : vector<16xi1>, vector<16xf32>
      %mul3A_562 = arith.constant 16 : i32
      %mul3A_563 = arith.muli %scan3A_296, %mul3A_562 : i32
      %add3A_564 = arith.constant 6 : i32
      %add3A_565 = arith.addi %mul3A_563, %add3A_564 : i32
      %get3A_566 = arith.index_cast %add3A_565 : i32 to index
      %get3A_567 = arith.constant 0 : index
      %get3A_568 = tpu.vector_load %arg12[%get3A_566, %get3A_567] {strides = array<i32>} : memref<512x64xf32, #tpu.memory_space<vmem>>, vector<16xf32>,
      %get3A_569 = arith.index_cast %add3A_565 : i32 to index
      %get3A_570 = arith.constant 0 : index
      %get3A_571 = tpu.vector_load %arg13[%get3A_569, %get3A_570] {strides = array<i32>} : memref<512x64xf32, #tpu.memory_space<vmem>>, vector<16xf32>,
      %mul3A_572 = arith.mulf %get3A_568, %get3A_571 : vector<16xf32>
      %get3A_573 = arith.index_cast %add3A_565 : i32 to index
      %get3A_574 = arith.constant 16 : index
      %get3A_575 = tpu.vector_load %arg12[%get3A_573, %get3A_574] {strides = array<i32>} : memref<512x64xf32, #tpu.memory_space<vmem>>, vector<16xf32>,
      %get3A_576 = arith.index_cast %add3A_565 : i32 to index
      %get3A_577 = arith.constant 16 : index
      %get3A_578 = tpu.vector_load %arg13[%get3A_576, %get3A_577] {strides = array<i32>} : memref<512x64xf32, #tpu.memory_space<vmem>>, vector<16xf32>,
      %mul3A_579 = arith.mulf %get3A_575, %get3A_578 : vector<16xf32>
      %add3A_580 = arith.addf %mul3A_572, %mul3A_579 : vector<16xf32>
      %get3A_581 = arith.index_cast %add3A_565 : i32 to index
      %get3A_582 = arith.constant 32 : index
      %get3A_583 = tpu.vector_load %arg12[%get3A_581, %get3A_582] {strides = array<i32>} : memref<512x64xf32, #tpu.memory_space<vmem>>, vector<16xf32>,
      %get3A_584 = arith.index_cast %add3A_565 : i32 to index
      %get3A_585 = arith.constant 32 : index
      %get3A_586 = tpu.vector_load %arg13[%get3A_584, %get3A_585] {strides = array<i32>} : memref<512x64xf32, #tpu.memory_space<vmem>>, vector<16xf32>,
      %mul3A_587 = arith.mulf %get3A_583, %get3A_586 : vector<16xf32>
      %add3A_588 = arith.addf %add3A_580, %mul3A_587 : vector<16xf32>
      %get3A_589 = arith.index_cast %add3A_565 : i32 to index
      %get3A_590 = arith.constant 48 : index
      %get3A_591 = tpu.vector_load %arg12[%get3A_589, %get3A_590] {strides = array<i32>} : memref<512x64xf32, #tpu.memory_space<vmem>>, vector<16xf32>,
      %get3A_592 = arith.index_cast %add3A_565 : i32 to index
      %get3A_593 = arith.constant 48 : index
      %get3A_594 = tpu.vector_load %arg13[%get3A_592, %get3A_593] {strides = array<i32>} : memref<512x64xf32, #tpu.memory_space<vmem>>, vector<16xf32>,
      %mul3A_595 = arith.mulf %get3A_591, %get3A_594 : vector<16xf32>
      %add3A_596 = arith.addf %add3A_588, %mul3A_595 : vector<16xf32>
      %reduce_sum3A_597 = arith.constant true
      %reduce_sum3A_598 = vector.broadcast %reduce_sum3A_597 : i1 to vector<16xi1>
      %reduce_sum3A_599 = tpu.scan <sum>, %add3A_596 masked %reduce_sum3A_598 : vector<16xf32>, vector<16xi1> -> vector<16xf32>
      %reduce_sum3A_600 = vector.extract %reduce_sum3A_599[15] : f32 from vector<16xf32>
      %eq3A_601 = arith.constant 6 : i32
      %eq3A_602 = vector.broadcast %eq3A_601 : i32 to vector<16xi32>
      %eq3A_603 = arith.cmpi eq, %iota3A, %eq3A_602 : vector<16xi32>
      %broadcast_in_dim3A_604 = vector.broadcast %reduce_sum3A_600 : f32 to vector<16xf32>
      %select_n3A_605 = arith.select %eq3A_603, %broadcast_in_dim3A_604, %select_n3A_561 : vector<16xi1>, vector<16xf32>
      %mul3A_606 = arith.constant 16 : i32
      %mul3A_607 = arith.muli %scan3A_296, %mul3A_606 : i32
      %add3A_608 = arith.constant 7 : i32
      %add3A_609 = arith.addi %mul3A_607, %add3A_608 : i32
      %get3A_610 = arith.index_cast %add3A_609 : i32 to index
      %get3A_611 = arith.constant 0 : index
      %get3A_612 = tpu.vector_load %arg12[%get3A_610, %get3A_611] {strides = array<i32>} : memref<512x64xf32, #tpu.memory_space<vmem>>, vector<16xf32>,
      %get3A_613 = arith.index_cast %add3A_609 : i32 to index
      %get3A_614 = arith.constant 0 : index
      %get3A_615 = tpu.vector_load %arg13[%get3A_613, %get3A_614] {strides = array<i32>} : memref<512x64xf32, #tpu.memory_space<vmem>>, vector<16xf32>,
      %mul3A_616 = arith.mulf %get3A_612, %get3A_615 : vector<16xf32>
      %get3A_617 = arith.index_cast %add3A_609 : i32 to index
      %get3A_618 = arith.constant 16 : index
      %get3A_619 = tpu.vector_load %arg12[%get3A_617, %get3A_618] {strides = array<i32>} : memref<512x64xf32, #tpu.memory_space<vmem>>, vector<16xf32>,
      %get3A_620 = arith.index_cast %add3A_609 : i32 to index
      %get3A_621 = arith.constant 16 : index
      %get3A_622 = tpu.vector_load %arg13[%get3A_620, %get3A_621] {strides = array<i32>} : memref<512x64xf32, #tpu.memory_space<vmem>>, vector<16xf32>,
      %mul3A_623 = arith.mulf %get3A_619, %get3A_622 : vector<16xf32>
      %add3A_624 = arith.addf %mul3A_616, %mul3A_623 : vector<16xf32>
      %get3A_625 = arith.index_cast %add3A_609 : i32 to index
      %get3A_626 = arith.constant 32 : index
      %get3A_627 = tpu.vector_load %arg12[%get3A_625, %get3A_626] {strides = array<i32>} : memref<512x64xf32, #tpu.memory_space<vmem>>, vector<16xf32>,
      %get3A_628 = arith.index_cast %add3A_609 : i32 to index
      %get3A_629 = arith.constant 32 : index
      %get3A_630 = tpu.vector_load %arg13[%get3A_628, %get3A_629] {strides = array<i32>} : memref<512x64xf32, #tpu.memory_space<vmem>>, vector<16xf32>,
      %mul3A_631 = arith.mulf %get3A_627, %get3A_630 : vector<16xf32>
      %add3A_632 = arith.addf %add3A_624, %mul3A_631 : vector<16xf32>
      %get3A_633 = arith.index_cast %add3A_609 : i32 to index
      %get3A_634 = arith.constant 48 : index
      %get3A_635 = tpu.vector_load %arg12[%get3A_633, %get3A_634] {strides = array<i32>} : memref<512x64xf32, #tpu.memory_space<vmem>>, vector<16xf32>,
      %get3A_636 = arith.index_cast %add3A_609 : i32 to index
      %get3A_637 = arith.constant 48 : index
      %get3A_638 = tpu.vector_load %arg13[%get3A_636, %get3A_637] {strides = array<i32>} : memref<512x64xf32, #tpu.memory_space<vmem>>, vector<16xf32>,
      %mul3A_639 = arith.mulf %get3A_635, %get3A_638 : vector<16xf32>
      %add3A_640 = arith.addf %add3A_632, %mul3A_639 : vector<16xf32>
      %reduce_sum3A_641 = arith.constant true
      %reduce_sum3A_642 = vector.broadcast %reduce_sum3A_641 : i1 to vector<16xi1>
      %reduce_sum3A_643 = tpu.scan <sum>, %add3A_640 masked %reduce_sum3A_642 : vector<16xf32>, vector<16xi1> -> vector<16xf32>
      %reduce_sum3A_644 = vector.extract %reduce_sum3A_643[15] : f32 from vector<16xf32>
      %eq3A_645 = arith.constant 7 : i32
      %eq3A_646 = vector.broadcast %eq3A_645 : i32 to vector<16xi32>
      %eq3A_647 = arith.cmpi eq, %iota3A, %eq3A_646 : vector<16xi32>
      %broadcast_in_dim3A_648 = vector.broadcast %reduce_sum3A_644 : f32 to vector<16xf32>
      %select_n3A_649 = arith.select %eq3A_647, %broadcast_in_dim3A_648, %select_n3A_605 : vector<16xi1>, vector<16xf32>
      %mul3A_650 = arith.constant 16 : i32
      %mul3A_651 = arith.muli %scan3A_296, %mul3A_650 : i32
      %add3A_652 = arith.constant 8 : i32
      %add3A_653 = arith.addi %mul3A_651, %add3A_652 : i32
      %get3A_654 = arith.index_cast %add3A_653 : i32 to index
      %get3A_655 = arith.constant 0 : index
      %get3A_656 = tpu.vector_load %arg12[%get3A_654, %get3A_655] {strides = array<i32>} : memref<512x64xf32, #tpu.memory_space<vmem>>, vector<16xf32>,
      %get3A_657 = arith.index_cast %add3A_653 : i32 to index
      %get3A_658 = arith.constant 0 : index
      %get3A_659 = tpu.vector_load %arg13[%get3A_657, %get3A_658] {strides = array<i32>} : memref<512x64xf32, #tpu.memory_space<vmem>>, vector<16xf32>,
      %mul3A_660 = arith.mulf %get3A_656, %get3A_659 : vector<16xf32>
      %get3A_661 = arith.index_cast %add3A_653 : i32 to index
      %get3A_662 = arith.constant 16 : index
      %get3A_663 = tpu.vector_load %arg12[%get3A_661, %get3A_662] {strides = array<i32>} : memref<512x64xf32, #tpu.memory_space<vmem>>, vector<16xf32>,
      %get3A_664 = arith.index_cast %add3A_653 : i32 to index
      %get3A_665 = arith.constant 16 : index
      %get3A_666 = tpu.vector_load %arg13[%get3A_664, %get3A_665] {strides = array<i32>} : memref<512x64xf32, #tpu.memory_space<vmem>>, vector<16xf32>,
      %mul3A_667 = arith.mulf %get3A_663, %get3A_666 : vector<16xf32>
      %add3A_668 = arith.addf %mul3A_660, %mul3A_667 : vector<16xf32>
      %get3A_669 = arith.index_cast %add3A_653 : i32 to index
      %get3A_670 = arith.constant 32 : index
      %get3A_671 = tpu.vector_load %arg12[%get3A_669, %get3A_670] {strides = array<i32>} : memref<512x64xf32, #tpu.memory_space<vmem>>, vector<16xf32>,
      %get3A_672 = arith.index_cast %add3A_653 : i32 to index
      %get3A_673 = arith.constant 32 : index
      %get3A_674 = tpu.vector_load %arg13[%get3A_672, %get3A_673] {strides = array<i32>} : memref<512x64xf32, #tpu.memory_space<vmem>>, vector<16xf32>,
      %mul3A_675 = arith.mulf %get3A_671, %get3A_674 : vector<16xf32>
      %add3A_676 = arith.addf %add3A_668, %mul3A_675 : vector<16xf32>
      %get3A_677 = arith.index_cast %add3A_653 : i32 to index
      %get3A_678 = arith.constant 48 : index
      %get3A_679 = tpu.vector_load %arg12[%get3A_677, %get3A_678] {strides = array<i32>} : memref<512x64xf32, #tpu.memory_space<vmem>>, vector<16xf32>,
      %get3A_680 = arith.index_cast %add3A_653 : i32 to index
      %get3A_681 = arith.constant 48 : index
      %get3A_682 = tpu.vector_load %arg13[%get3A_680, %get3A_681] {strides = array<i32>} : memref<512x64xf32, #tpu.memory_space<vmem>>, vector<16xf32>,
      %mul3A_683 = arith.mulf %get3A_679, %get3A_682 : vector<16xf32>
      %add3A_684 = arith.addf %add3A_676, %mul3A_683 : vector<16xf32>
      %reduce_sum3A_685 = arith.constant true
      %reduce_sum3A_686 = vector.broadcast %reduce_sum3A_685 : i1 to vector<16xi1>
      %reduce_sum3A_687 = tpu.scan <sum>, %add3A_684 masked %reduce_sum3A_686 : vector<16xf32>, vector<16xi1> -> vector<16xf32>
      %reduce_sum3A_688 = vector.extract %reduce_sum3A_687[15] : f32 from vector<16xf32>
      %eq3A_689 = arith.constant 8 : i32
      %eq3A_690 = vector.broadcast %eq3A_689 : i32 to vector<16xi32>
      %eq3A_691 = arith.cmpi eq, %iota3A, %eq3A_690 : vector<16xi32>
      %broadcast_in_dim3A_692 = vector.broadcast %reduce_sum3A_688 : f32 to vector<16xf32>
      %select_n3A_693 = arith.select %eq3A_691, %broadcast_in_dim3A_692, %select_n3A_649 : vector<16xi1>, vector<16xf32>
      %mul3A_694 = arith.constant 16 : i32
      %mul3A_695 = arith.muli %scan3A_296, %mul3A_694 : i32
      %add3A_696 = arith.constant 9 : i32
      %add3A_697 = arith.addi %mul3A_695, %add3A_696 : i32
      %get3A_698 = arith.index_cast %add3A_697 : i32 to index
      %get3A_699 = arith.constant 0 : index
      %get3A_700 = tpu.vector_load %arg12[%get3A_698, %get3A_699] {strides = array<i32>} : memref<512x64xf32, #tpu.memory_space<vmem>>, vector<16xf32>,
      %get3A_701 = arith.index_cast %add3A_697 : i32 to index
      %get3A_702 = arith.constant 0 : index
      %get3A_703 = tpu.vector_load %arg13[%get3A_701, %get3A_702] {strides = array<i32>} : memref<512x64xf32, #tpu.memory_space<vmem>>, vector<16xf32>,
      %mul3A_704 = arith.mulf %get3A_700, %get3A_703 : vector<16xf32>
      %get3A_705 = arith.index_cast %add3A_697 : i32 to index
      %get3A_706 = arith.constant 16 : index
      %get3A_707 = tpu.vector_load %arg12[%get3A_705, %get3A_706] {strides = array<i32>} : memref<512x64xf32, #tpu.memory_space<vmem>>, vector<16xf32>,
      %get3A_708 = arith.index_cast %add3A_697 : i32 to index
      %get3A_709 = arith.constant 16 : index
      %get3A_710 = tpu.vector_load %arg13[%get3A_708, %get3A_709] {strides = array<i32>} : memref<512x64xf32, #tpu.memory_space<vmem>>, vector<16xf32>,
      %mul3A_711 = arith.mulf %get3A_707, %get3A_710 : vector<16xf32>
      %add3A_712 = arith.addf %mul3A_704, %mul3A_711 : vector<16xf32>
      %get3A_713 = arith.index_cast %add3A_697 : i32 to index
      %get3A_714 = arith.constant 32 : index
      %get3A_715 = tpu.vector_load %arg12[%get3A_713, %get3A_714] {strides = array<i32>} : memref<512x64xf32, #tpu.memory_space<vmem>>, vector<16xf32>,
      %get3A_716 = arith.index_cast %add3A_697 : i32 to index
      %get3A_717 = arith.constant 32 : index
      %get3A_718 = tpu.vector_load %arg13[%get3A_716, %get3A_717] {strides = array<i32>} : memref<512x64xf32, #tpu.memory_space<vmem>>, vector<16xf32>,
      %mul3A_719 = arith.mulf %get3A_715, %get3A_718 : vector<16xf32>
      %add3A_720 = arith.addf %add3A_712, %mul3A_719 : vector<16xf32>
      %get3A_721 = arith.index_cast %add3A_697 : i32 to index
      %get3A_722 = arith.constant 48 : index
      %get3A_723 = tpu.vector_load %arg12[%get3A_721, %get3A_722] {strides = array<i32>} : memref<512x64xf32, #tpu.memory_space<vmem>>, vector<16xf32>,
      %get3A_724 = arith.index_cast %add3A_697 : i32 to index
      %get3A_725 = arith.constant 48 : index
      %get3A_726 = tpu.vector_load %arg13[%get3A_724, %get3A_725] {strides = array<i32>} : memref<512x64xf32, #tpu.memory_space<vmem>>, vector<16xf32>,
      %mul3A_727 = arith.mulf %get3A_723, %get3A_726 : vector<16xf32>
      %add3A_728 = arith.addf %add3A_720, %mul3A_727 : vector<16xf32>
      %reduce_sum3A_729 = arith.constant true
      %reduce_sum3A_730 = vector.broadcast %reduce_sum3A_729 : i1 to vector<16xi1>
      %reduce_sum3A_731 = tpu.scan <sum>, %add3A_728 masked %reduce_sum3A_730 : vector<16xf32>, vector<16xi1> -> vector<16xf32>
      %reduce_sum3A_732 = vector.extract %reduce_sum3A_731[15] : f32 from vector<16xf32>
      %eq3A_733 = arith.constant 9 : i32
      %eq3A_734 = vector.broadcast %eq3A_733 : i32 to vector<16xi32>
      %eq3A_735 = arith.cmpi eq, %iota3A, %eq3A_734 : vector<16xi32>
      %broadcast_in_dim3A_736 = vector.broadcast %reduce_sum3A_732 : f32 to vector<16xf32>
      %select_n3A_737 = arith.select %eq3A_735, %broadcast_in_dim3A_736, %select_n3A_693 : vector<16xi1>, vector<16xf32>
      %mul3A_738 = arith.constant 16 : i32
      %mul3A_739 = arith.muli %scan3A_296, %mul3A_738 : i32
      %add3A_740 = arith.constant 10 : i32
      %add3A_741 = arith.addi %mul3A_739, %add3A_740 : i32
      %get3A_742 = arith.index_cast %add3A_741 : i32 to index
      %get3A_743 = arith.constant 0 : index
      %get3A_744 = tpu.vector_load %arg12[%get3A_742, %get3A_743] {strides = array<i32>} : memref<512x64xf32, #tpu.memory_space<vmem>>, vector<16xf32>,
      %get3A_745 = arith.index_cast %add3A_741 : i32 to index
      %get3A_746 = arith.constant 0 : index
      %get3A_747 = tpu.vector_load %arg13[%get3A_745, %get3A_746] {strides = array<i32>} : memref<512x64xf32, #tpu.memory_space<vmem>>, vector<16xf32>,
      %mul3A_748 = arith.mulf %get3A_744, %get3A_747 : vector<16xf32>
      %get3A_749 = arith.index_cast %add3A_741 : i32 to index
      %get3A_750 = arith.constant 16 : index
      %get3A_751 = tpu.vector_load %arg12[%get3A_749, %get3A_750] {strides = array<i32>} : memref<512x64xf32, #tpu.memory_space<vmem>>, vector<16xf32>,
      %get3A_752 = arith.index_cast %add3A_741 : i32 to index
      %get3A_753 = arith.constant 16 : index
      %get3A_754 = tpu.vector_load %arg13[%get3A_752, %get3A_753] {strides = array<i32>} : memref<512x64xf32, #tpu.memory_space<vmem>>, vector<16xf32>,
      %mul3A_755 = arith.mulf %get3A_751, %get3A_754 : vector<16xf32>
      %add3A_756 = arith.addf %mul3A_748, %mul3A_755 : vector<16xf32>
      %get3A_757 = arith.index_cast %add3A_741 : i32 to index
      %get3A_758 = arith.constant 32 : index
      %get3A_759 = tpu.vector_load %arg12[%get3A_757, %get3A_758] {strides = array<i32>} : memref<512x64xf32, #tpu.memory_space<vmem>>, vector<16xf32>,
      %get3A_760 = arith.index_cast %add3A_741 : i32 to index
      %get3A_761 = arith.constant 32 : index
      %get3A_762 = tpu.vector_load %arg13[%get3A_760, %get3A_761] {strides = array<i32>} : memref<512x64xf32, #tpu.memory_space<vmem>>, vector<16xf32>,
      %mul3A_763 = arith.mulf %get3A_759, %get3A_762 : vector<16xf32>
      %add3A_764 = arith.addf %add3A_756, %mul3A_763 : vector<16xf32>
      %get3A_765 = arith.index_cast %add3A_741 : i32 to index
      %get3A_766 = arith.constant 48 : index
      %get3A_767 = tpu.vector_load %arg12[%get3A_765, %get3A_766] {strides = array<i32>} : memref<512x64xf32, #tpu.memory_space<vmem>>, vector<16xf32>,
      %get3A_768 = arith.index_cast %add3A_741 : i32 to index
      %get3A_769 = arith.constant 48 : index
      %get3A_770 = tpu.vector_load %arg13[%get3A_768, %get3A_769] {strides = array<i32>} : memref<512x64xf32, #tpu.memory_space<vmem>>, vector<16xf32>,
      %mul3A_771 = arith.mulf %get3A_767, %get3A_770 : vector<16xf32>
      %add3A_772 = arith.addf %add3A_764, %mul3A_771 : vector<16xf32>
      %reduce_sum3A_773 = arith.constant true
      %reduce_sum3A_774 = vector.broadcast %reduce_sum3A_773 : i1 to vector<16xi1>
      %reduce_sum3A_775 = tpu.scan <sum>, %add3A_772 masked %reduce_sum3A_774 : vector<16xf32>, vector<16xi1> -> vector<16xf32>
      %reduce_sum3A_776 = vector.extract %reduce_sum3A_775[15] : f32 from vector<16xf32>
      %eq3A_777 = arith.constant 10 : i32
      %eq3A_778 = vector.broadcast %eq3A_777 : i32 to vector<16xi32>
      %eq3A_779 = arith.cmpi eq, %iota3A, %eq3A_778 : vector<16xi32>
      %broadcast_in_dim3A_780 = vector.broadcast %reduce_sum3A_776 : f32 to vector<16xf32>
      %select_n3A_781 = arith.select %eq3A_779, %broadcast_in_dim3A_780, %select_n3A_737 : vector<16xi1>, vector<16xf32>
      %mul3A_782 = arith.constant 16 : i32
      %mul3A_783 = arith.muli %scan3A_296, %mul3A_782 : i32
      %add3A_784 = arith.constant 11 : i32
      %add3A_785 = arith.addi %mul3A_783, %add3A_784 : i32
      %get3A_786 = arith.index_cast %add3A_785 : i32 to index
      %get3A_787 = arith.constant 0 : index
      %get3A_788 = tpu.vector_load %arg12[%get3A_786, %get3A_787] {strides = array<i32>} : memref<512x64xf32, #tpu.memory_space<vmem>>, vector<16xf32>,
      %get3A_789 = arith.index_cast %add3A_785 : i32 to index
      %get3A_790 = arith.constant 0 : index
      %get3A_791 = tpu.vector_load %arg13[%get3A_789, %get3A_790] {strides = array<i32>} : memref<512x64xf32, #tpu.memory_space<vmem>>, vector<16xf32>,
      %mul3A_792 = arith.mulf %get3A_788, %get3A_791 : vector<16xf32>
      %get3A_793 = arith.index_cast %add3A_785 : i32 to index
      %get3A_794 = arith.constant 16 : index
      %get3A_795 = tpu.vector_load %arg12[%get3A_793, %get3A_794] {strides = array<i32>} : memref<512x64xf32, #tpu.memory_space<vmem>>, vector<16xf32>,
      %get3A_796 = arith.index_cast %add3A_785 : i32 to index
      %get3A_797 = arith.constant 16 : index
      %get3A_798 = tpu.vector_load %arg13[%get3A_796, %get3A_797] {strides = array<i32>} : memref<512x64xf32, #tpu.memory_space<vmem>>, vector<16xf32>,
      %mul3A_799 = arith.mulf %get3A_795, %get3A_798 : vector<16xf32>
      %add3A_800 = arith.addf %mul3A_792, %mul3A_799 : vector<16xf32>
      %get3A_801 = arith.index_cast %add3A_785 : i32 to index
      %get3A_802 = arith.constant 32 : index
      %get3A_803 = tpu.vector_load %arg12[%get3A_801, %get3A_802] {strides = array<i32>} : memref<512x64xf32, #tpu.memory_space<vmem>>, vector<16xf32>,
      %get3A_804 = arith.index_cast %add3A_785 : i32 to index
      %get3A_805 = arith.constant 32 : index
      %get3A_806 = tpu.vector_load %arg13[%get3A_804, %get3A_805] {strides = array<i32>} : memref<512x64xf32, #tpu.memory_space<vmem>>, vector<16xf32>,
      %mul3A_807 = arith.mulf %get3A_803, %get3A_806 : vector<16xf32>
      %add3A_808 = arith.addf %add3A_800, %mul3A_807 : vector<16xf32>
      %get3A_809 = arith.index_cast %add3A_785 : i32 to index
      %get3A_810 = arith.constant 48 : index
      %get3A_811 = tpu.vector_load %arg12[%get3A_809, %get3A_810] {strides = array<i32>} : memref<512x64xf32, #tpu.memory_space<vmem>>, vector<16xf32>,
      %get3A_812 = arith.index_cast %add3A_785 : i32 to index
      %get3A_813 = arith.constant 48 : index
      %get3A_814 = tpu.vector_load %arg13[%get3A_812, %get3A_813] {strides = array<i32>} : memref<512x64xf32, #tpu.memory_space<vmem>>, vector<16xf32>,
      %mul3A_815 = arith.mulf %get3A_811, %get3A_814 : vector<16xf32>
      %add3A_816 = arith.addf %add3A_808, %mul3A_815 : vector<16xf32>
      %reduce_sum3A_817 = arith.constant true
      %reduce_sum3A_818 = vector.broadcast %reduce_sum3A_817 : i1 to vector<16xi1>
      %reduce_sum3A_819 = tpu.scan <sum>, %add3A_816 masked %reduce_sum3A_818 : vector<16xf32>, vector<16xi1> -> vector<16xf32>
      %reduce_sum3A_820 = vector.extract %reduce_sum3A_819[15] : f32 from vector<16xf32>
      %eq3A_821 = arith.constant 11 : i32
      %eq3A_822 = vector.broadcast %eq3A_821 : i32 to vector<16xi32>
      %eq3A_823 = arith.cmpi eq, %iota3A, %eq3A_822 : vector<16xi32>
      %broadcast_in_dim3A_824 = vector.broadcast %reduce_sum3A_820 : f32 to vector<16xf32>
      %select_n3A_825 = arith.select %eq3A_823, %broadcast_in_dim3A_824, %select_n3A_781 : vector<16xi1>, vector<16xf32>
      %mul3A_826 = arith.constant 16 : i32
      %mul3A_827 = arith.muli %scan3A_296, %mul3A_826 : i32
      %add3A_828 = arith.constant 12 : i32
      %add3A_829 = arith.addi %mul3A_827, %add3A_828 : i32
      %get3A_830 = arith.index_cast %add3A_829 : i32 to index
      %get3A_831 = arith.constant 0 : index
      %get3A_832 = tpu.vector_load %arg12[%get3A_830, %get3A_831] {strides = array<i32>} : memref<512x64xf32, #tpu.memory_space<vmem>>, vector<16xf32>,
      %get3A_833 = arith.index_cast %add3A_829 : i32 to index
      %get3A_834 = arith.constant 0 : index
      %get3A_835 = tpu.vector_load %arg13[%get3A_833, %get3A_834] {strides = array<i32>} : memref<512x64xf32, #tpu.memory_space<vmem>>, vector<16xf32>,
      %mul3A_836 = arith.mulf %get3A_832, %get3A_835 : vector<16xf32>
      %get3A_837 = arith.index_cast %add3A_829 : i32 to index
      %get3A_838 = arith.constant 16 : index
      %get3A_839 = tpu.vector_load %arg12[%get3A_837, %get3A_838] {strides = array<i32>} : memref<512x64xf32, #tpu.memory_space<vmem>>, vector<16xf32>,
      %get3A_840 = arith.index_cast %add3A_829 : i32 to index
      %get3A_841 = arith.constant 16 : index
      %get3A_842 = tpu.vector_load %arg13[%get3A_840, %get3A_841] {strides = array<i32>} : memref<512x64xf32, #tpu.memory_space<vmem>>, vector<16xf32>,
      %mul3A_843 = arith.mulf %get3A_839, %get3A_842 : vector<16xf32>
      %add3A_844 = arith.addf %mul3A_836, %mul3A_843 : vector<16xf32>
      %get3A_845 = arith.index_cast %add3A_829 : i32 to index
      %get3A_846 = arith.constant 32 : index
      %get3A_847 = tpu.vector_load %arg12[%get3A_845, %get3A_846] {strides = array<i32>} : memref<512x64xf32, #tpu.memory_space<vmem>>, vector<16xf32>,
      %get3A_848 = arith.index_cast %add3A_829 : i32 to index
      %get3A_849 = arith.constant 32 : index
      %get3A_850 = tpu.vector_load %arg13[%get3A_848, %get3A_849] {strides = array<i32>} : memref<512x64xf32, #tpu.memory_space<vmem>>, vector<16xf32>,
      %mul3A_851 = arith.mulf %get3A_847, %get3A_850 : vector<16xf32>
      %add3A_852 = arith.addf %add3A_844, %mul3A_851 : vector<16xf32>
      %get3A_853 = arith.index_cast %add3A_829 : i32 to index
      %get3A_854 = arith.constant 48 : index
      %get3A_855 = tpu.vector_load %arg12[%get3A_853, %get3A_854] {strides = array<i32>} : memref<512x64xf32, #tpu.memory_space<vmem>>, vector<16xf32>,
      %get3A_856 = arith.index_cast %add3A_829 : i32 to index
      %get3A_857 = arith.constant 48 : index
      %get3A_858 = tpu.vector_load %arg13[%get3A_856, %get3A_857] {strides = array<i32>} : memref<512x64xf32, #tpu.memory_space<vmem>>, vector<16xf32>,
      %mul3A_859 = arith.mulf %get3A_855, %get3A_858 : vector<16xf32>
      %add3A_860 = arith.addf %add3A_852, %mul3A_859 : vector<16xf32>
      %reduce_sum3A_861 = arith.constant true
      %reduce_sum3A_862 = vector.broadcast %reduce_sum3A_861 : i1 to vector<16xi1>
      %reduce_sum3A_863 = tpu.scan <sum>, %add3A_860 masked %reduce_sum3A_862 : vector<16xf32>, vector<16xi1> -> vector<16xf32>
      %reduce_sum3A_864 = vector.extract %reduce_sum3A_863[15] : f32 from vector<16xf32>
      %eq3A_865 = arith.constant 12 : i32
      %eq3A_866 = vector.broadcast %eq3A_865 : i32 to vector<16xi32>
      %eq3A_867 = arith.cmpi eq, %iota3A, %eq3A_866 : vector<16xi32>
      %broadcast_in_dim3A_868 = vector.broadcast %reduce_sum3A_864 : f32 to vector<16xf32>
      %select_n3A_869 = arith.select %eq3A_867, %broadcast_in_dim3A_868, %select_n3A_825 : vector<16xi1>, vector<16xf32>
      %mul3A_870 = arith.constant 16 : i32
      %mul3A_871 = arith.muli %scan3A_296, %mul3A_870 : i32
      %add3A_872 = arith.constant 13 : i32
      %add3A_873 = arith.addi %mul3A_871, %add3A_872 : i32
      %get3A_874 = arith.index_cast %add3A_873 : i32 to index
      %get3A_875 = arith.constant 0 : index
      %get3A_876 = tpu.vector_load %arg12[%get3A_874, %get3A_875] {strides = array<i32>} : memref<512x64xf32, #tpu.memory_space<vmem>>, vector<16xf32>,
      %get3A_877 = arith.index_cast %add3A_873 : i32 to index
      %get3A_878 = arith.constant 0 : index
      %get3A_879 = tpu.vector_load %arg13[%get3A_877, %get3A_878] {strides = array<i32>} : memref<512x64xf32, #tpu.memory_space<vmem>>, vector<16xf32>,
      %mul3A_880 = arith.mulf %get3A_876, %get3A_879 : vector<16xf32>
      %get3A_881 = arith.index_cast %add3A_873 : i32 to index
      %get3A_882 = arith.constant 16 : index
      %get3A_883 = tpu.vector_load %arg12[%get3A_881, %get3A_882] {strides = array<i32>} : memref<512x64xf32, #tpu.memory_space<vmem>>, vector<16xf32>,
      %get3A_884 = arith.index_cast %add3A_873 : i32 to index
      %get3A_885 = arith.constant 16 : index
      %get3A_886 = tpu.vector_load %arg13[%get3A_884, %get3A_885] {strides = array<i32>} : memref<512x64xf32, #tpu.memory_space<vmem>>, vector<16xf32>,
      %mul3A_887 = arith.mulf %get3A_883, %get3A_886 : vector<16xf32>
      %add3A_888 = arith.addf %mul3A_880, %mul3A_887 : vector<16xf32>
      %get3A_889 = arith.index_cast %add3A_873 : i32 to index
      %get3A_890 = arith.constant 32 : index
      %get3A_891 = tpu.vector_load %arg12[%get3A_889, %get3A_890] {strides = array<i32>} : memref<512x64xf32, #tpu.memory_space<vmem>>, vector<16xf32>,
      %get3A_892 = arith.index_cast %add3A_873 : i32 to index
      %get3A_893 = arith.constant 32 : index
      %get3A_894 = tpu.vector_load %arg13[%get3A_892, %get3A_893] {strides = array<i32>} : memref<512x64xf32, #tpu.memory_space<vmem>>, vector<16xf32>,
      %mul3A_895 = arith.mulf %get3A_891, %get3A_894 : vector<16xf32>
      %add3A_896 = arith.addf %add3A_888, %mul3A_895 : vector<16xf32>
      %get3A_897 = arith.index_cast %add3A_873 : i32 to index
      %get3A_898 = arith.constant 48 : index
      %get3A_899 = tpu.vector_load %arg12[%get3A_897, %get3A_898] {strides = array<i32>} : memref<512x64xf32, #tpu.memory_space<vmem>>, vector<16xf32>,
      %get3A_900 = arith.index_cast %add3A_873 : i32 to index
      %get3A_901 = arith.constant 48 : index
      %get3A_902 = tpu.vector_load %arg13[%get3A_900, %get3A_901] {strides = array<i32>} : memref<512x64xf32, #tpu.memory_space<vmem>>, vector<16xf32>,
      %mul3A_903 = arith.mulf %get3A_899, %get3A_902 : vector<16xf32>
      %add3A_904 = arith.addf %add3A_896, %mul3A_903 : vector<16xf32>
      %reduce_sum3A_905 = arith.constant true
      %reduce_sum3A_906 = vector.broadcast %reduce_sum3A_905 : i1 to vector<16xi1>
      %reduce_sum3A_907 = tpu.scan <sum>, %add3A_904 masked %reduce_sum3A_906 : vector<16xf32>, vector<16xi1> -> vector<16xf32>
      %reduce_sum3A_908 = vector.extract %reduce_sum3A_907[15] : f32 from vector<16xf32>
      %eq3A_909 = arith.constant 13 : i32
      %eq3A_910 = vector.broadcast %eq3A_909 : i32 to vector<16xi32>
      %eq3A_911 = arith.cmpi eq, %iota3A, %eq3A_910 : vector<16xi32>
      %broadcast_in_dim3A_912 = vector.broadcast %reduce_sum3A_908 : f32 to vector<16xf32>
      %select_n3A_913 = arith.select %eq3A_911, %broadcast_in_dim3A_912, %select_n3A_869 : vector<16xi1>, vector<16xf32>
      %mul3A_914 = arith.constant 16 : i32
      %mul3A_915 = arith.muli %scan3A_296, %mul3A_914 : i32
      %add3A_916 = arith.constant 14 : i32
      %add3A_917 = arith.addi %mul3A_915, %add3A_916 : i32
      %get3A_918 = arith.index_cast %add3A_917 : i32 to index
      %get3A_919 = arith.constant 0 : index
      %get3A_920 = tpu.vector_load %arg12[%get3A_918, %get3A_919] {strides = array<i32>} : memref<512x64xf32, #tpu.memory_space<vmem>>, vector<16xf32>,
      %get3A_921 = arith.index_cast %add3A_917 : i32 to index
      %get3A_922 = arith.constant 0 : index
      %get3A_923 = tpu.vector_load %arg13[%get3A_921, %get3A_922] {strides = array<i32>} : memref<512x64xf32, #tpu.memory_space<vmem>>, vector<16xf32>,
      %mul3A_924 = arith.mulf %get3A_920, %get3A_923 : vector<16xf32>
      %get3A_925 = arith.index_cast %add3A_917 : i32 to index
      %get3A_926 = arith.constant 16 : index
      %get3A_927 = tpu.vector_load %arg12[%get3A_925, %get3A_926] {strides = array<i32>} : memref<512x64xf32, #tpu.memory_space<vmem>>, vector<16xf32>,
      %get3A_928 = arith.index_cast %add3A_917 : i32 to index
      %get3A_929 = arith.constant 16 : index
      %get3A_930 = tpu.vector_load %arg13[%get3A_928, %get3A_929] {strides = array<i32>} : memref<512x64xf32, #tpu.memory_space<vmem>>, vector<16xf32>,
      %mul3A_931 = arith.mulf %get3A_927, %get3A_930 : vector<16xf32>
      %add3A_932 = arith.addf %mul3A_924, %mul3A_931 : vector<16xf32>
      %get3A_933 = arith.index_cast %add3A_917 : i32 to index
      %get3A_934 = arith.constant 32 : index
      %get3A_935 = tpu.vector_load %arg12[%get3A_933, %get3A_934] {strides = array<i32>} : memref<512x64xf32, #tpu.memory_space<vmem>>, vector<16xf32>,
      %get3A_936 = arith.index_cast %add3A_917 : i32 to index
      %get3A_937 = arith.constant 32 : index
      %get3A_938 = tpu.vector_load %arg13[%get3A_936, %get3A_937] {strides = array<i32>} : memref<512x64xf32, #tpu.memory_space<vmem>>, vector<16xf32>,
      %mul3A_939 = arith.mulf %get3A_935, %get3A_938 : vector<16xf32>
      %add3A_940 = arith.addf %add3A_932, %mul3A_939 : vector<16xf32>
      %get3A_941 = arith.index_cast %add3A_917 : i32 to index
      %get3A_942 = arith.constant 48 : index
      %get3A_943 = tpu.vector_load %arg12[%get3A_941, %get3A_942] {strides = array<i32>} : memref<512x64xf32, #tpu.memory_space<vmem>>, vector<16xf32>,
      %get3A_944 = arith.index_cast %add3A_917 : i32 to index
      %get3A_945 = arith.constant 48 : index
      %get3A_946 = tpu.vector_load %arg13[%get3A_944, %get3A_945] {strides = array<i32>} : memref<512x64xf32, #tpu.memory_space<vmem>>, vector<16xf32>,
      %mul3A_947 = arith.mulf %get3A_943, %get3A_946 : vector<16xf32>
      %add3A_948 = arith.addf %add3A_940, %mul3A_947 : vector<16xf32>
      %reduce_sum3A_949 = arith.constant true
      %reduce_sum3A_950 = vector.broadcast %reduce_sum3A_949 : i1 to vector<16xi1>
      %reduce_sum3A_951 = tpu.scan <sum>, %add3A_948 masked %reduce_sum3A_950 : vector<16xf32>, vector<16xi1> -> vector<16xf32>
      %reduce_sum3A_952 = vector.extract %reduce_sum3A_951[15] : f32 from vector<16xf32>
      %eq3A_953 = arith.constant 14 : i32
      %eq3A_954 = vector.broadcast %eq3A_953 : i32 to vector<16xi32>
      %eq3A_955 = arith.cmpi eq, %iota3A, %eq3A_954 : vector<16xi32>
      %broadcast_in_dim3A_956 = vector.broadcast %reduce_sum3A_952 : f32 to vector<16xf32>
      %select_n3A_957 = arith.select %eq3A_955, %broadcast_in_dim3A_956, %select_n3A_913 : vector<16xi1>, vector<16xf32>
      %mul3A_958 = arith.constant 16 : i32
      %mul3A_959 = arith.muli %scan3A_296, %mul3A_958 : i32
      %add3A_960 = arith.constant 15 : i32
      %add3A_961 = arith.addi %mul3A_959, %add3A_960 : i32
      %get3A_962 = arith.index_cast %add3A_961 : i32 to index
      %get3A_963 = arith.constant 0 : index
      %get3A_964 = tpu.vector_load %arg12[%get3A_962, %get3A_963] {strides = array<i32>} : memref<512x64xf32, #tpu.memory_space<vmem>>, vector<16xf32>,
      %get3A_965 = arith.index_cast %add3A_961 : i32 to index
      %get3A_966 = arith.constant 0 : index
      %get3A_967 = tpu.vector_load %arg13[%get3A_965, %get3A_966] {strides = array<i32>} : memref<512x64xf32, #tpu.memory_space<vmem>>, vector<16xf32>,
      %mul3A_968 = arith.mulf %get3A_964, %get3A_967 : vector<16xf32>
      %get3A_969 = arith.index_cast %add3A_961 : i32 to index
      %get3A_970 = arith.constant 16 : index
      %get3A_971 = tpu.vector_load %arg12[%get3A_969, %get3A_970] {strides = array<i32>} : memref<512x64xf32, #tpu.memory_space<vmem>>, vector<16xf32>,
      %get3A_972 = arith.index_cast %add3A_961 : i32 to index
      %get3A_973 = arith.constant 16 : index
      %get3A_974 = tpu.vector_load %arg13[%get3A_972, %get3A_973] {strides = array<i32>} : memref<512x64xf32, #tpu.memory_space<vmem>>, vector<16xf32>,
      %mul3A_975 = arith.mulf %get3A_971, %get3A_974 : vector<16xf32>
      %add3A_976 = arith.addf %mul3A_968, %mul3A_975 : vector<16xf32>
      %get3A_977 = arith.index_cast %add3A_961 : i32 to index
      %get3A_978 = arith.constant 32 : index
      %get3A_979 = tpu.vector_load %arg12[%get3A_977, %get3A_978] {strides = array<i32>} : memref<512x64xf32, #tpu.memory_space<vmem>>, vector<16xf32>,
      %get3A_980 = arith.index_cast %add3A_961 : i32 to index
      %get3A_981 = arith.constant 32 : index
      %get3A_982 = tpu.vector_load %arg13[%get3A_980, %get3A_981] {strides = array<i32>} : memref<512x64xf32, #tpu.memory_space<vmem>>, vector<16xf32>,
      %mul3A_983 = arith.mulf %get3A_979, %get3A_982 : vector<16xf32>
      %add3A_984 = arith.addf %add3A_976, %mul3A_983 : vector<16xf32>
      %get3A_985 = arith.index_cast %add3A_961 : i32 to index
      %get3A_986 = arith.constant 48 : index
      %get3A_987 = tpu.vector_load %arg12[%get3A_985, %get3A_986] {strides = array<i32>} : memref<512x64xf32, #tpu.memory_space<vmem>>, vector<16xf32>,
      %get3A_988 = arith.index_cast %add3A_961 : i32 to index
      %get3A_989 = arith.constant 48 : index
      %get3A_990 = tpu.vector_load %arg13[%get3A_988, %get3A_989] {strides = array<i32>} : memref<512x64xf32, #tpu.memory_space<vmem>>, vector<16xf32>,
      %mul3A_991 = arith.mulf %get3A_987, %get3A_990 : vector<16xf32>
      %add3A_992 = arith.addf %add3A_984, %mul3A_991 : vector<16xf32>
      %reduce_sum3A_993 = arith.constant true
      %reduce_sum3A_994 = vector.broadcast %reduce_sum3A_993 : i1 to vector<16xi1>
      %reduce_sum3A_995 = tpu.scan <sum>, %add3A_992 masked %reduce_sum3A_994 : vector<16xf32>, vector<16xi1> -> vector<16xf32>
      %reduce_sum3A_996 = vector.extract %reduce_sum3A_995[15] : f32 from vector<16xf32>
      %eq3A_997 = arith.constant 15 : i32
      %eq3A_998 = vector.broadcast %eq3A_997 : i32 to vector<16xi32>
      %eq3A_999 = arith.cmpi eq, %iota3A, %eq3A_998 : vector<16xi32>
      %broadcast_in_dim3A_1000 = vector.broadcast %reduce_sum3A_996 : f32 to vector<16xf32>
      %select_n3A_1001 = arith.select %eq3A_999, %broadcast_in_dim3A_1000, %select_n3A_957 : vector<16xi1>, vector<16xf32>
      %get3A_1002 = arith.index_cast %mul3A_299 : i32 to index
      %get3A_1003 = tpu.vector_load %arg14[%get3A_1002] {strides = array<i32>} : memref<512xf32, #tpu.memory_space<vmem>>, vector<16xf32>,
      %add3A_1004 = arith.addf %select_n3A_1001, %get3A_1003 : vector<16xf32>
      %get3A_1005 = arith.index_cast %mul3A_299 : i32 to index
      %get3A_1006 = tpu.vector_load %arg15[%get3A_1005] {strides = array<i32>} : memref<512xf32, #tpu.memory_space<vmem>>, vector<16xf32>,
      %add3A_1007 = arith.addf %add3A_1004, %get3A_1006 : vector<16xf32>
      %add3A_1008 = arith.addf %add3A_1007, %get3A_289 : vector<16xf32>
      %swap3A = arith.index_cast %mul3A_299 : i32 to index
      %swap3A_1009 = tpu.vector_load %arg16[%swap3A] {strides = array<i32>} : memref<512xf32, #tpu.memory_space<vmem>>, vector<16xf32>,
      tpu.vector_store %arg16[%swap3A], %add3A_1008 {strides = array<i32>} : memref<512xf32, #tpu.memory_space<vmem>>, vector<16xf32>,
      %scan3A_1010 = arith.constant 0 : i32
      scf.yield %scan3A_1010 : i32
    }
    %scan3A_295 = arith.constant 32 : i32
    "tpu.region"() ({
      %run_scoped3A = tpu.sem_alloc : memref<!tpu.dma_semaphore, #tpu.memory_space<semaphore_mem>>
      %dma_start3A_296 = tpu.memref_slice %arg9[%mul3A_2] : memref<16384xf32, #tpu.memory_space<hbm>> -> memref<512xf32, #tpu.memory_space<hbm>>
      %dma_start3A_297 = tpu.memref_slice %arg9[%mul3A_2] : memref<16384xf32, #tpu.memory_space<hbm>> -> memref<512xf32, #tpu.memory_space<hbm>>
      tpu.enqueue_dma source(%arg16 : memref<512xf32, #tpu.memory_space<vmem>>) target(%dma_start3A_297 : memref<512xf32, #tpu.memory_space<hbm>>) target_semaphore(%run_scoped3A : memref<!tpu.dma_semaphore, #tpu.memory_space<semaphore_mem>>)
      %dma_wait3A_298 = tpu.memref_slice %arg9[%mul3A_2] : memref<16384xf32, #tpu.memory_space<hbm>> -> memref<512xf32, #tpu.memory_space<hbm>>
      %dma_wait3A_299 = tpu.memref_slice %arg9[%mul3A_2] : memref<16384xf32, #tpu.memory_space<hbm>> -> memref<512xf32, #tpu.memory_space<hbm>>
      tpu.wait_dma2 semaphore(%run_scoped3A : memref<!tpu.dma_semaphore, #tpu.memory_space<semaphore_mem>>) src(%arg16 : memref<512xf32, #tpu.memory_space<vmem>>) dst(%dma_wait3A_299 : memref<512xf32, #tpu.memory_space<hbm>>)
      tpu.yield
    }) : () -> ()
    return
  }
}

</mosaic_0001>

<sc_bundles>
// kernel: kernel.3.cloned.1.call-start
scs
__scs_entry_jumppad:
0x0: {  	(pc) =	sbr.rel $0x88, $3  }
0x1: {  	(tag) =	ssettag $0x0;
	lr =	simm.s32 $0x1  }
0x2: {  	[smem:$0x3F9A] =	sst lr;
	_ =	strace $0xD0000000  }
0x3: {  	_ = 	snop  }
0x4: {  	_ = 	snop  }
0x5: {  	_ = 	snop  }
0x6: {  	_ = 	snop  }
0x7: {  	_ = 	snop  }
__scs_overlays_trampoline_lowered:
0x8: {  	[smem:$0x3FA9] =	sst s0  }
0x9: {  	[smem:$0x3FAA] =	sst s1  }
0xa: {  	[smem:$0x3FAB] =	sst s2  }
0xb: {  	[smem:$0x3FAC] =	sst s3  }
0xc: {  	[smem:$0x3FAD] =	sst s4  }
0xd: {  	[smem:$0x3FAE] =	sst s5  }
0xe: {  	[smem:$0x3FAF] =	sst s6  }
0xf: {  	[smem:$0x3FB0] =	sst s7  }
0x10: {  	[smem:$0x3FB1] =	sst s8  }
0x11: {  	[smem:$0x3FB2] =	sst s9;
	s0 =	simm.s32 @!p0 $0x0  }
0x12: {  	s1 =	sld [smem:$0x3F98];
	s0 =	simm.s32 @p0 $0x1  }
0x13: {  	[smem:$0x3FB3] =	sst s0;
	s0 =	simm.s32 @!p1 $0x0  }
0x14: {  	s2 =	sld [smem:$0x3F97];
	s0 =	simm.s32 @p1 $0x1  }
0x15: {  	[smem:$0x3FB4] =	sst s0;
	s0 =	simm.s32 @!p2 $0x0  }
0x16: {  	s3 =	sld [smem:$0x3FDB];
	s0 =	simm.s32 @p2 $0x1  }
0x17: {  	s4 =	simm.s32 $0x1BF5;
	[smem:$0x3FB6] =	sst s0  }
0x18: {  	s0 =	sld [smem:$0x3F99];
	_ =	swait.ge [sflag:s4], $0x0  }
0x19: {  	s7 =	sld [smem:$0x3F9A]  }
0x1a: {  	s8 =	sadd.s32 $0xFFFFE003, lr  }
0x1b: {  	s9 =	sadd.s32 $0xFFFFFEF7, lr;
	s5 =	simm.s32 $0xFFFFFFFF;
	p2 =	slt.u32 s8, $0xFFFFF086  }
0x1c: {  	p1 =	slt.u32 s9, $0xF7A;
	s5 =	simm.s32 @!p2 $0x0  }
0x1d: {  	s5 =	simm.s32 @p1 $0x1;
	p0 =	seq.s32 s7, s2  }
0x1e: {  	s7 =	smul.u32 @!p0 $0xF7A, s2;
	p2 =	seq.s32 @!p0 s5, $0x0  }
0x1f: {  	s9 =	smul.u32 $0xF7A, s1;
	s8 =	simm.s32 @!p0 $0x1BF5;
	p2 =	por !p2, p0  }
0x20: {  	[sflag:s8] =	ssyncset.s32 @!p0 $0xFFFFF086;
	s6 =	sadd.s32 @!p0 s3, s7;
	s7 =	simm.s32 @!p0 $0x108  }
0x21: {  	s3 =	sadd.s32 s3, s9;
	s6 =	sadd.s32 @!p0 $0x88, s6;
	s7 =	simm.s32 @p2 $0x1082  }
0x22: {  	[simem:s7], [sflag:s8] =	dma.local @!p0 [hbm:s6], $0xF7A  }
0x23: {  	s9 =	sor.u32 $0xD0000000, s2;
	s6 =	simm.s32 $0x108;
	_ =	swait.ge @!p0 [sflag:s8], $0x0  }
0x24: {  	s3 =	sadd.s32 $0x88, s3;
	s6 =	simm.s32 @!p1 $0x1082;
	[sflag:s4] =	ssyncset.s32 $0xFFFFF086  }
0x25: {  	[simem:s6], [sflag:s4] =	dma.local [hbm:s3], $0xF7A  }
0x26: {  	[smem:$0x3F9A] =	sst s1;
	(tag) =	ssettag s2;
	_ =	strace s9  }
0x27: {  	s1 =	sld [smem:$0x3FAA]  }
0x28: {  	s2 =	sld [smem:$0x3FAB]  }
0x29: {  	s4 =	sld [smem:$0x3FAD]  }
0x2a: {  	p0 =	seq.s32 s5, $0x0;
	s5 =	sld [smem:$0x3FAE]  }
0x2b: {  	s6 =	sld [smem:$0x3FAF]  }
0x2c: {  	s7 =	sld [smem:$0x3FB0]  }
0x2d: {  	s3 =	simm.s32 $0x108;
	s8 =	sld [smem:$0x3FB1]  }
0x2e: {  	s3 =	simm.s32 @!p0 $0x1082;
	s9 =	sld [smem:$0x3FB2]  }
0x2f: {  	lr =	sadd.s32 s0, s3;
	s0 =	sld [smem:$0x3FA9]  }
0x30: {  	s3 =	sld [smem:$0x3FAC]  }
0x31: {  	[smem:$0x3FB5] =	sst s10  }
0x32: {  	s10 =	sld [smem:$0x3FB3];
	_ =	sdelay $0x3  }
0x33: {  	p0 =	seq.s32 s10, $0x1;
	s10 =	sld [smem:$0x3FB5];
	_ =	sdelay $0x3  }
0x34: {  	[smem:$0x3FB5] =	sst s10  }
0x35: {  	s10 =	sld [smem:$0x3FB4];
	_ =	sdelay $0x3  }
0x36: {  	p1 =	seq.s32 s10, $0x1;
	s10 =	sld [smem:$0x3FB5];
	_ =	sdelay $0x3  }
0x37: {  	[smem:$0x3FB5] =	sst s10  }
0x38: {  	s10 =	sld [smem:$0x3FB6]  }
0x39: {  	_ = 	snop;
	(pc) =	sbr.ind lr, $3  }
0x3a: {  	_ = 	snop  }
0x3b: {  	_ = 	snop  }
0x3c: {  	p2 =	seq.s32 s10, $0x1;
	s10 =	sld [smem:$0x3FB5]  }
0x3d: {  	_ =	shalt  }
0x3e: {  	_ =	shalt  }
0x3f: {  	_ =	shalt  }
0x40: {  	_ =	shalt  }
0x41: {  	_ =	shalt  }
0x42: {  	_ =	shalt  }
0x43: {  	_ =	shalt  }
0x44: {  	_ =	shalt  }
0x45: {  	_ =	shalt  }
0x46: {  	_ =	shalt  }
0x47: {  	_ =	shalt  }
0x48: {  	_ =	shalt  }
0x49: {  	_ =	shalt  }
0x4a: {  	_ =	shalt  }
0x4b: {  	_ =	shalt  }
0x4c: {  	_ =	shalt  }
0x4d: {  	_ =	shalt  }
0x4e: {  	_ =	shalt  }
0x4f: {  	_ =	shalt  }
0x50: {  	_ =	shalt  }
0x51: {  	_ =	shalt  }
0x52: {  	_ =	shalt  }
0x53: {  	_ =	shalt  }
0x54: {  	_ =	shalt  }
0x55: {  	_ =	shalt  }
0x56: {  	_ =	shalt  }
0x57: {  	_ =	shalt  }
0x58: {  	_ =	shalt  }
0x59: {  	_ =	shalt  }
0x5a: {  	_ =	shalt  }
0x5b: {  	_ =	shalt  }
0x5c: {  	_ =	shalt  }
0x5d: {  	_ =	shalt  }
0x5e: {  	_ =	shalt  }
0x5f: {  	_ =	shalt  }
0x60: {  	_ =	shalt  }
0x61: {  	_ =	shalt  }
0x62: {  	_ =	shalt  }
0x63: {  	_ =	shalt  }
0x64: {  	_ =	shalt  }
0x65: {  	_ =	shalt  }
0x66: {  	_ =	shalt  }
0x67: {  	_ =	shalt  }
0x68: {  	_ =	shalt  }
0x69: {  	_ =	shalt  }
0x6a: {  	_ =	shalt  }
0x6b: {  	_ =	shalt  }
0x6c: {  	_ =	shalt  }
0x6d: {  	_ =	shalt  }
0x6e: {  	_ =	shalt  }
0x6f: {  	_ =	shalt  }
0x70: {  	_ =	shalt  }
0x71: {  	_ =	shalt  }
0x72: {  	_ =	shalt  }
0x73: {  	_ =	shalt  }
0x74: {  	_ =	shalt  }
0x75: {  	_ =	shalt  }
0x76: {  	_ =	shalt  }
0x77: {  	_ =	shalt  }
0x78: {  	_ =	shalt  }
0x79: {  	_ =	shalt  }
0x7a: {  	_ =	shalt  }
0x7b: {  	_ =	shalt  }
0x7c: {  	_ =	shalt  }
0x7d: {  	_ =	shalt  }
0x7e: {  	_ =	shalt  }
0x7f: {  	_ =	shalt  }
0x80: {  	_ =	shalt  }
0x81: {  	_ =	shalt  }
0x82: {  	_ =	shalt  }
0x83: {  	_ =	shalt  }
0x84: {  	_ =	shalt  }
0x85: {  	_ =	shalt  }
0x86: {  	_ =	shalt  }
0x87: {  	_ =	shalt  }
.Lfunc_end0:
.L_simem_size_0:
called_computation_lowered:
.L_overlay_start_0:
0x88: {  	s2 =	sld [smem:$0x3FD9]  }
0x89: {  	s3 =	sld [smem:$0x3FFE];
	_ =	sdelay $0x1  }
0x8a: {  	s1 =	srdreg.scid  }
0x8b: {  	s0 =	sand.u32 $0x1, s1  }
0x8c: {  	s17 =	sshll.u32 s0, $0xA;
	s2 =	sadd.s32 s3, s2  }
0x8d: {  	s2 =	sadd.s32 s2, s17  }
0x8e: {  	[smem:$0x3FC1] =	sst s2  }
0x8f: {  	_ = 	snop  }
0x90: {  	s2 =	sld [smem:$0x3FC9]  }
0x91: {  	s18 =	sld [smem:$0x3FC8]  }
0x92: {  	s4 =	sld [smem:$0x3FD0];
	(tm) =	ssettm $0x1  }
0x93: {  	s5 =	sld [smem:$0x3FFB];
	_ =	sdelay $0x3  }
0x94: {  	_ =	strace s5  }
0x95: {  	s5 =	sld [smem:$0x3FFC];
	_ =	sdelay $0x3  }
0x96: {  	_ =	strace s5  }
0x97: {  	s5 =	sld [smem:$0x3FFD];
	_ =	sdelay $0x3  }
0x98: {  	_ =	strace s5  }
0x99: {  	_ =	strace $0x8FFFFFFF  }
0x9a: {  	s19 =	sld [smem:$0x3FDB];
	_ =	sdelay $0x1  }
0x9b: {  	s6 =	simm.s32 $_scs_section_size  }
0x9c: {  	s7 =	simm.s32 $_size__tile_overlayer_lowered;
	s8 =	simm.s32 $_tile_overlayer_lowered  }
0x9d: {  	s22 =	simm.s32 $0x1BFF;
	s21 =	sshll.u32 s8, $0x1;
	s5 =	sadd.s32 s6, s19  }
0x9e: {  	s9 =	simm.s32 $0x0;
	s20 =	sshll.u32 s7, $0x1;
	s7 =	sadd.s32 s21, s5  }
0x9f: {  	[timem:s9], [sflag:s22] =	dma.local [hbm:s7], s20  }
0xa0: {  	_ =	swait.ge [sflag:s22], s20  }
0xa1: {  	s6 =	ssub.s32 $0x0, s20;
	[sflag:s22] =	ssyncset.done $0x0  }
0xa2: {  	[sflag:s22] =	ssyncadd.s32 s6;
	_ =	sdelay $0x1  }
0xa3: {  	s23 =	simm.s32 $0x1B8B  }
0xa4: {  	_ =	swait.ge [sflag:s23], $0x1  }
0xa5: {  	[sflag:s23] =	ssyncset.done $0x0  }
0xa6: {  	s25 =	simm.s32 $0x1B8E;
	s24 =	sld [smem:$0x3FFE];
	[sflag:s23] =	ssyncadd.s32 $0xFFFFFFFF  }
0xa7: {  	s26 =	simm.s32 $execute0_lowered;
	[smem:$0x3FD2] =	sst s25  }
0xa8: {  	s7 =	sshll.u32 s26, $0x1;
	_ =	strace $0x80000046;
	[dreg:$0x1] =	wrdreg $0xFFFFFFFF  }
0xa9: {  	s28 =	simm.s32 $_size_execute0_lowered;
	s5 =	sadd.s32 s5, s7;
	[dreg:$0x0] =	wrdreg $0x0  }
0xaa: {  	s7 =	sshll.u32 s28, $0x1;
	[dreg:$0x2] =	wrdreg s5  }
0xab: {  	[dreg:$0x3] =	wrdreg s7  }
0xac: {  	[dreg:$0x4] =	wrdreg $0xC0  }
0xad: {  	_ =	task [dreg:s9], $0x5FFFF  }
0xae: {  	[dreg:$0x1] =	wrdreg $0xFFFFFFFF  }
0xaf: {  	[dreg:$0x0] =	wrdreg $0x60  }
0xb0: {  	[dreg:$0x2] =	wrdreg s2  }
0xb1: {  	[dreg:$0x3] =	wrdreg s18  }
0xb2: {  	[dreg:$0x4] =	wrdreg s24  }
0xb3: {  	[dreg:$0x5] =	wrdreg s4  }
0xb4: {  	[dreg:$0x6] =	wrdreg $0x9  }
0xb5: {  	_ =	task.clear_ibuf [dreg:s9], $0x7FFFF;
	_ =	strace $0x90000046  }
0xb6: {  	s29 =	simm.s32 $0x9;
	_ =	strace $0x80000048  }
0xb7: {  	_ =	swait.ge [sflag:s29], $0x1  }
0xb8: {  	[sflag:s29] =	ssyncadd.s32 $0xFFFFFFFF  }
0xb9: {  	_ =	strace $0x90000048  }
0xba: {  	_ =	sfence  }
0xbb: {  	s30 =	sld [smem:$0x0];
	_ =	sdelay $0x2  }
0xbc: {  	s31 =	sshll.u32 s1, $0xD;
	s1 =	sshrl.u32 s1, $0x2  }
0xbd: {  	s3 =	sand.u32 $0x4000, s31;
	s1 =	sadd.s32 s1, s30  }
0xbe: {  	s0 =	sor.u32 s3, s0;
	s1 =	sshll.u32 s1, $0x11  }
0xbf: {  	s0 =	sor.u32 s1, s0  }
0xc0: {  	s0 =	sadd.s32 $0x8F2B, s0  }
0xc1: {  	[sflag:s0] =	ssyncadd.remote.s32 $0x1  }
0xc2: {  	_ =	sfence.sel $0xFFFF  }
0xc3: {  	[dreg:$0x0] =	wrdreg $0xFFFFFFFF;
	(pc) =	sbr.abs _section_cstart, $3  }
0xc4: {  	[dreg:$0x1] =	wrdreg $0xFFFFFFFF  }
0xc5: {  	_ =	task.clear_ibuf [dreg:s9], $0x2FFFF;
	_ =	strace $0x9FFFFFFF  }
0xc6: {  	(tm) =	ssettm $0x7FFFFFFF  }
0xc7: {  	_ =	shalt  }
tec
execute0_lowered:
.L_overlay_start_1:
0x0: {  	(tag) =	ssettag $0x1  }
0x1: {  	s0 =	rddreg [dreg:$0x0]  }
0x2: {  	s3 =	rddreg [dreg:$0x1]  }
0x3: {  	s1 =	rddreg [dreg:$0x2]  }
0x4: {  	s10 =	rddreg [dreg:$0x3]  }
0x5: {  	s2 =	simm.s32 $0x0;
	s7 =	srdreg.scid;
	s9 =	stileid.u32  }
0x6: {  	s13 =	simm.s32 $0x200;
	s15 =	simm.s32 $0x80;
	s21 =	simm.s32 $0x280  }
0x7: {  	s25 =	simm.s32 $0x100;
	s28 =	simm.s32 $0x300;
	s31 =	simm.s32 $0x10700  }
0x8: {  	s14 =	simm.s32 $0x380;
	s16 =	simm.s32 $0xE400;
	s17 =	simm.s32 $0x10580  }
0x9: {  	s18 =	simm.s32 $0x10780;
	s19 =	simm.s32 $0x1;
	s20 =	simm.s32 $0x10800  }
0xa: {  	s22 =	simm.s32 $0x0;
	[smem:$0x7FF] =	sst s2;
	s4 =	sadd.s32 $0x16E3600, s1  }
0xb: {  	s5 =	sadd.s32 $0x1EA00, s1;
	s6 =	sadd.s32 $0xF42400, s1;
	s7 =	sand.u32 $0x1, s7  }
0xc: {  	vm0 =	vmmov $0x1;
	vm1 =	vmmov $0x3;
	vm2 =	vmmov $0x7;
	s9 =	sshll.u32 s9, $0x7;
	s8 =	ssub.s32 $0x2, s7;
	s11 =	sshll.u32 s7, $0x6  }
0xd: {  	vm3 =	vmmov $0xf;
	vm4 =	vmmov $0x1f;
	vm5 =	vmmov $0x3f;
	_ =	strace $0x80000047;
	s12 =	sshrl.u32 s8, $0x1;
	s11 =	sor.u32 s11, s9  }
0xe: {  	vm6 =	vmmov $0x7f;
	vm7 =	vmmov $0xff;
	vm8 =	vmmov $0x1ff;
	s7 =	sadd.s32 $0x3D400, s1;
	s12 =	ssub.s32 s8, s12;
	s8 =	sadd.s32 s0, s11  }
0xf: {  	vm9 =	vmmov $0x3ff;
	vm10 =	vmmov $0x7ff;
	vm11 =	vmmov $0xfff;
	s9 =	sadd.s32 s3, s11;
	s10 =	sadd.s32 s10, s11;
	s0 =	simm.s32 $0x180  }
0x10: {  	vm12 =	vmmov $0x1fff;
	vm13 =	vmmov $0x3fff;
	vm14 =	vmmov $0x7fff;
	s3 =	simm.s32 $0x6400;
	s11 =	smax.u32 s12, $0x1;
	s12 =	simm.s32 $0x2  }
.LBB2_1:
0x11: {  	[tilespmem:s2], [sflag:$0x2] =	stream.linear.gather [hbm4b:s8+s2], $0x200, $0x38;
	[tilespmem:$0x10A10] =	vst v63  }
0x12: {  	_ =	swait.ge [sflag:s12], $0x200  }
0x13: {  	[sflag:s12] =	ssyncset.done $0x0  }
0x14: {  	[sflag:s12] =	ssyncadd.s32 $0xFFFFFE00  }
0x15: {  	[tilespmem:s13], [sflag:$0x2] =	stream.linear.gather [hbm4b:s9+s2], $0x200, $0x38;
	[tilespmem:$0x10A10] =	vst v63  }
0x16: {  	_ =	swait.ge [sflag:s12], $0x200  }
0x17: {  	[sflag:s12] =	ssyncset.done $0x0  }
0x18: {  	s23 =	simm.s32 $0x10A00;
	[sflag:s12] =	ssyncadd.s32 $0xFFFFFE00  }
0x19: {  	[tilespmem:s23], [sflag:$0x2] =	stream.linear.gather [hbm4b:s7+s2], $0x10, $0x38;
	[tilespmem:$0x10A10] =	vst v63  }
0x1a: {  	_ =	swait.ge [sflag:s12], $0x10  }
0x1b: {  	[sflag:s12] =	ssyncset.done $0x0  }
0x1c: {  	s26 =	simm.s32 $0x400;
	[sflag:s12] =	ssyncadd.s32 $0xFFFFFFF0  }
0x1d: {  	[tilespmem:s26], [sflag:$0x1] =	stream.indirect.gather [hbm4b:s4+s15], $0x40, s2, s15, $0xb8;
	[tilespmem:$0x10A10] =	vst v63  }
0x1e: {  	s30 =	simm.s32 $0x8400  }
0x1f: {  	[tilespmem:s30], [sflag:$0x1] =	stream.indirect.gather [hbm4b:s6+s15], $0x40, s13, s15, $0xb8;
	[tilespmem:$0x10A10] =	vst v63  }
0x20: {  	s24 =	simm.s32 $0x10400  }
0x21: {  	[tilespmem:s24], [sflag:$0x1] =	stream.indirect.gather [hbm4b:s5+s15], $0x1, s2, s15, $0xb8;
	[tilespmem:$0x10A10] =	vst v63  }
0x22: {  	s26 =	simm.s32 $0x10600  }
0x23: {  	[tilespmem:s26], [sflag:$0x1] =	stream.indirect.gather [hbm4b:s1+s15], $0x1, s13, s15, $0xb8;
	[tilespmem:$0x10A10] =	vst v63  }
0x24: {  	s30 =	simm.s32 $0x2400  }
0x25: {  	[tilespmem:s30], [sflag:$0x1] =	stream.indirect.gather [hbm4b:s4+s15], $0x40, s15, s15, $0xb8;
	[tilespmem:$0x10A10] =	vst v63  }
0x26: {  	s24 =	simm.s32 $0xA400  }
0x27: {  	[tilespmem:s24], [sflag:$0x1] =	stream.indirect.gather [hbm4b:s6+s15], $0x40, s21, s15, $0xb8;
	[tilespmem:$0x10A10] =	vst v63  }
0x28: {  	s26 =	simm.s32 $0x10480  }
0x29: {  	[tilespmem:s26], [sflag:$0x1] =	stream.indirect.gather [hbm4b:s5+s15], $0x1, s15, s15, $0xb8;
	[tilespmem:$0x10A10] =	vst v63  }
0x2a: {  	s30 =	simm.s32 $0x10680  }
0x2b: {  	[tilespmem:s30], [sflag:$0x1] =	stream.indirect.gather [hbm4b:s1+s15], $0x1, s21, s15, $0xb8;
	[tilespmem:$0x10A10] =	vst v63  }
0x2c: {  	s24 =	simm.s32 $0x4400  }
0x2d: {  	[tilespmem:s24], [sflag:$0x1] =	stream.indirect.gather [hbm4b:s4+s15], $0x40, s25, s15, $0xb8;
	[tilespmem:$0x10A10] =	vst v63  }
0x2e: {  	s26 =	simm.s32 $0xC400  }
0x2f: {  	[tilespmem:s26], [sflag:$0x1] =	stream.indirect.gather [hbm4b:s6+s15], $0x40, s28, s15, $0xb8;
	[tilespmem:$0x10A10] =	vst v63  }
0x30: {  	s30 =	simm.s32 $0x10500  }
0x31: {  	[tilespmem:s30], [sflag:$0x1] =	stream.indirect.gather [hbm4b:s5+s15], $0x1, s25, s15, $0xb8;
	[tilespmem:$0x10A10] =	vst v63  }
0x32: {  	_ = 	snop  }
0x33: {  	[tilespmem:s31], [sflag:$0x1] =	stream.indirect.gather [hbm4b:s1+s15], $0x1, s28, s15, $0xb8;
	[tilespmem:$0x10A10] =	vst v63  }
0x34: {  	_ = 	snop  }
0x35: {  	[tilespmem:s3], [sflag:$0x1] =	stream.indirect.gather [hbm4b:s4+s15], $0x40, s0, s15, $0xb8;
	[tilespmem:$0x10A10] =	vst v63  }
0x36: {  	_ = 	snop  }
0x37: {  	[tilespmem:s16], [sflag:$0x1] =	stream.indirect.gather [hbm4b:s6+s15], $0x40, s14, s15, $0xb8;
	[tilespmem:$0x10A10] =	vst v63  }
0x38: {  	_ = 	snop  }
0x39: {  	[tilespmem:s17], [sflag:$0x1] =	stream.indirect.gather [hbm4b:s5+s15], $0x1, s0, s15, $0xb8;
	[tilespmem:$0x10A10] =	vst v63  }
0x3a: {  	_ = 	snop  }
0x3b: {  	[tilespmem:s18], [sflag:$0x1] =	stream.indirect.gather [hbm4b:s1+s15], $0x1, s14, s15, $0xb8;
	[tilespmem:$0x10A10] =	vst v63  }
0x3c: {  	_ =	swait.ge [sflag:s19], $0x2000  }
0x3d: {  	[sflag:s19] =	ssyncset.done $0x0  }
0x3e: {  	[sflag:s19] =	ssyncadd.s32 $0xFFFFE000  }
0x3f: {  	_ =	swait.ge [sflag:s19], $0x2000  }
0x40: {  	[sflag:s19] =	ssyncset.done $0x0  }
0x41: {  	[sflag:s19] =	ssyncadd.s32 $0xFFFFE000  }
0x42: {  	_ =	swait.ge [sflag:s19], $0x80  }
0x43: {  	[sflag:s19] =	ssyncset.done $0x0  }
0x44: {  	[sflag:s19] =	ssyncadd.s32 $0xFFFFFF80  }
0x45: {  	_ =	swait.ge [sflag:s19], $0x80  }
0x46: {  	[sflag:s19] =	ssyncset.done $0x0  }
0x47: {  	[sflag:s19] =	ssyncadd.s32 $0xFFFFFF80  }
0x48: {  	_ =	swait.ge [sflag:s19], $0x2000  }
0x49: {  	[sflag:s19] =	ssyncset.done $0x0  }
0x4a: {  	[sflag:s19] =	ssyncadd.s32 $0xFFFFE000  }
0x4b: {  	_ =	swait.ge [sflag:s19], $0x2000  }
0x4c: {  	[sflag:s19] =	ssyncset.done $0x0  }
0x4d: {  	[sflag:s19] =	ssyncadd.s32 $0xFFFFE000  }
0x4e: {  	_ =	swait.ge [sflag:s19], $0x80  }
0x4f: {  	[sflag:s19] =	ssyncset.done $0x0  }
0x50: {  	[sflag:s19] =	ssyncadd.s32 $0xFFFFFF80  }
0x51: {  	_ =	swait.ge [sflag:s19], $0x80  }
0x52: {  	[sflag:s19] =	ssyncset.done $0x0  }
0x53: {  	[sflag:s19] =	ssyncadd.s32 $0xFFFFFF80  }
0x54: {  	_ =	swait.ge [sflag:s19], $0x2000  }
0x55: {  	[sflag:s19] =	ssyncset.done $0x0  }
0x56: {  	[sflag:s19] =	ssyncadd.s32 $0xFFFFE000  }
0x57: {  	_ =	swait.ge [sflag:s19], $0x2000  }
0x58: {  	[sflag:s19] =	ssyncset.done $0x0  }
0x59: {  	[sflag:s19] =	ssyncadd.s32 $0xFFFFE000  }
0x5a: {  	_ =	swait.ge [sflag:s19], $0x80  }
0x5b: {  	[sflag:s19] =	ssyncset.done $0x0  }
0x5c: {  	[sflag:s19] =	ssyncadd.s32 $0xFFFFFF80  }
0x5d: {  	_ =	swait.ge [sflag:s19], $0x80  }
0x5e: {  	[sflag:s19] =	ssyncset.done $0x0  }
0x5f: {  	[sflag:s19] =	ssyncadd.s32 $0xFFFFFF80  }
0x60: {  	_ =	swait.ge [sflag:s19], $0x2000  }
0x61: {  	[sflag:s19] =	ssyncset.done $0x0  }
0x62: {  	[sflag:s19] =	ssyncadd.s32 $0xFFFFE000  }
0x63: {  	_ =	swait.ge [sflag:s19], $0x2000  }
0x64: {  	[sflag:s19] =	ssyncset.done $0x0  }
0x65: {  	[sflag:s19] =	ssyncadd.s32 $0xFFFFE000  }
0x66: {  	_ =	swait.ge [sflag:s19], $0x80  }
0x67: {  	[sflag:s19] =	ssyncset.done $0x0  }
0x68: {  	[sflag:s19] =	ssyncadd.s32 $0xFFFFFF80  }
0x69: {  	_ =	swait.ge [sflag:s19], $0x80  }
0x6a: {  	[sflag:s19] =	ssyncset.done $0x0  }
0x6b: {  	[sflag:s19] =	ssyncadd.s32 $0xFFFFFF80  }
0x6c: {  	v0 =	vld [tilespmem:$0x10A00];
	_ =	sdelay $0x3  }
0x6d: {  	s24 =	simm.s32 $0x600  }
0x6e: {  	[tilespmem:$0x1FE80] =	vst v0;
	v0 =	vld [tilespmem:s24+$0x1C0];
	_ =	sdelay $0x3  }
0x6f: {  	s23 =	simm.s32 $0x8600  }
0x70: {  	[tilespmem:$0x1FE90] =	vst v0;
	v0 =	vld [tilespmem:s23+$0x1C0];
	_ =	sdelay $0x4  }
0x71: {  	[tilespmem:$0x1FEA0] =	vst v0;
	v0 =	vld [tilespmem:s24+$0x1D0];
	_ =	sdelay $0x4  }
0x72: {  	[tilespmem:$0x1FEB0] =	vst v0;
	v0 =	vld [tilespmem:s23+$0x1D0];
	_ =	sdelay $0x4  }
0x73: {  	[tilespmem:$0x1FEC0] =	vst v0;
	v0 =	vld [tilespmem:s23+$0x1A0];
	_ =	sdelay $0x4  }
0x74: {  	[tilespmem:$0x1FF80] =	vst v0;
	v0 =	vld [tilespmem:s24+$0x160];
	_ =	sdelay $0x4  }
0x75: {  	[tilespmem:$0x1FED0] =	vst v0;
	v0 =	vld [tilespmem:s24+$0x120];
	_ =	sdelay $0x3  }
0x76: {  	v5 =	vld [tilespmem:s24+$0x1B0]  }
0x77: {  	[tilespmem:$0x1FF90] =	vst v0;
	v0 =	vld [tilespmem:s23+$0x120]  }
0x78: {  	v7 =	vld [tilespmem:s23+$0x1B0]  }
0x79: {  	v22 =	vld [tilespmem:s24+$0x1A0]  }
0x7a: {  	v13 =	vld [tilespmem:s24+$0x130]  }
0x7b: {  	v14 =	vld [tilespmem:s23+$0x130]  }
0x7c: {  	[tilespmem:$0x1FFA0] =	vst v0;
	v0 =	vld [tilespmem:s24+$0x140]  }
0x7d: {  	v31 =	vld [tilespmem:s24+$0x180]  }
0x7e: {  	v32 =	vld [tilespmem:s23+$0x180]  }
0x7f: {  	v33 =	vld [tilespmem:s24+$0x190]  }
0x80: {  	v30 =	vld [tilespmem:s23+$0x190]  }
0x81: {  	[tilespmem:$0x1FEE0] =	vst v0;
	v0 =	vld [tilespmem:s23+$0x140]  }
0x82: {  	v15 =	vld [tilespmem:s24+$0xF0]  }
0x83: {  	v24 =	vld [tilespmem:s23+$0xF0]  }
0x84: {  	v63 =	vld [tilespmem:s24+$0xE0]  }
0x85: {  	v34 =	vld [tilespmem:s23+$0xE0]  }
0x86: {  	[tilespmem:$0x1FEF0] =	vst v0;
	v0 =	vld [tilespmem:s24+$0x150]  }
0x87: {  	v43 =	vld [tilespmem:s24+$0x100]  }
0x88: {  	v44 =	vld [tilespmem:s23+$0x100]  }
0x89: {  	v45 =	vld [tilespmem:s24+$0x110]  }
0x8a: {  	v46 =	vld [tilespmem:s23+$0x110]  }
0x8b: {  	[tilespmem:$0x1FF00] =	vst v0;
	v0 =	vld [tilespmem:s23+$0x150]  }
0x8c: {  	v6 =	vld [tilespmem:s24+$0x70]  }
0x8d: {  	v8 =	vld [tilespmem:s23+$0x70]  }
0x8e: {  	v49 =	vld [tilespmem:s24+$0xC0]  }
0x8f: {  	v1 =	vld [tilespmem:s23+$0xC0]  }
0x90: {  	[tilespmem:$0x1FF10] =	vst v0;
	v0 =	vld [tilespmem:s24+$0xA0]  }
0x91: {  	v2 =	vld [tilespmem:s24+$0xD0]  }
0x92: {  	v52 =	vld [tilespmem:s23+$0xD0]  }
0x93: {  	v3 =	vld [tilespmem:s24+$0x30]  }
0x94: {  	v4 =	vld [tilespmem:s23+$0x30]  }
0x95: {  	[tilespmem:$0x1FF20] =	vst v0;
	v0 =	vld [tilespmem:s24+$0x80]  }
0x96: {  	v58 =	vld [tilespmem:s24+$0x60]  }
0x97: {  	v35 =	vld [tilespmem:s23+$0x60]  }
0x98: {  	v59 =	vld [tilespmem:s24+$0x40]  }
0x99: {  	v60 =	vld [tilespmem:s23+$0x40]  }
0x9a: {  	[tilespmem:$0x1FF30] =	vst v0;
	v0 =	vld [tilespmem:s23+$0x80]  }
0x9b: {  	v61 =	vld [tilespmem:s24+$0x50]  }
0x9c: {  	v62 =	vld [tilespmem:s23+$0x50]  }
0x9d: {  	v21 =	vld [tilespmem:s24+$0xFFFFFFB0]  }
0x9e: {  	v50 =	vld [tilespmem:s23+$0xFFFFFFB0]  }
0x9f: {  	[tilespmem:$0x1FF40] =	vst v0;
	v0 =	vld [tilespmem:s24+$0x90]  }
0xa0: {  	v54 =	vld [tilespmem:s24+$0x0]  }
0xa1: {  	v53 =	vld [tilespmem:s23+$0x0]  }
0xa2: {  	v48 =	vld [tilespmem:s24+$0x10]  }
0xa3: {  	v47 =	vld [tilespmem:s23+$0x10]  }
0xa4: {  	[tilespmem:$0x1FF50] =	vst v0;
	v0 =	vld [tilespmem:s23+$0x90]  }
0xa5: {  	v9 =	vld [tilespmem:s24+$0xFFFFFF70]  }
0xa6: {  	v11 =	vld [tilespmem:s23+$0xFFFFFF70]  }
0xa7: {  	v56 =	vld [tilespmem:s24+$0xFFFFFFA0]  }
0xa8: {  	v55 =	vld [tilespmem:s23+$0xFFFFFFA0]  }
0xa9: {  	[tilespmem:$0x1FF60] =	vst v0;
	v0 =	vld [tilespmem:s24+$0x20]  }
0xaa: {  	v16 =	vld [tilespmem:s24+$0xFFFFFFC0]  }
0xab: {  	v17 =	vld [tilespmem:s23+$0xFFFFFFC0]  }
0xac: {  	v18 =	vld [tilespmem:s24+$0xFFFFFFD0]  }
0xad: {  	v19 =	vld [tilespmem:s23+$0xFFFFFFD0]  }
0xae: {  	[tilespmem:$0x1FFB0] =	vst v0;
	v0 =	vld [tilespmem:s23+$0x20]  }
0xaf: {  	v38 =	vld [tilespmem:s24+$0xFFFFFF80]  }
0xb0: {  	v37 =	vld [tilespmem:s23+$0xFFFFFF80]  }
0xb1: {  	v36 =	vld [tilespmem:s24+$0xFFFFFF90]  }
0xb2: {  	v23 =	vld [tilespmem:s23+$0xFFFFFF90]  }
0xb3: {  	[tilespmem:$0x1FFC0] =	vst v0;
	v0 =	vld [tilespmem:s24+$0xFFFFFFE0]  }
0xb4: {  	v10 =	vld [tilespmem:s24+$0xFFFFFEF0]  }
0xb5: {  	v12 =	vld [tilespmem:s23+$0xFFFFFEF0]  }
0xb6: {  	v20 =	vld [tilespmem:s24+$0xFFFFFF20]  }
0xb7: {  	v42 =	vld [tilespmem:s24+$0xFFFFFF40]  }
0xb8: {  	[tilespmem:$0x1FF70] =	vst v0;
	v0 =	vld [tilespmem:s24+$0xFFFFFF60]  }
0xb9: {  	v41 =	vld [tilespmem:s23+$0xFFFFFF40]  }
0xba: {  	v40 =	vld [tilespmem:s24+$0xFFFFFF50]  }
0xbb: {  	v39 =	vld [tilespmem:s23+$0xFFFFFF50]  }
0xbc: {  	v28 =	vld [tilespmem:s24+$0xFFFFFEB0]  }
0xbd: {  	[tilespmem:$0x1FFD0] =	vst v0;
	v0 =	vld [tilespmem:s23+$0xFFFFFF60]  }
0xbe: {  	v29 =	vld [tilespmem:s23+$0xFFFFFEB0]  }
0xbf: {  	v57 =	vld [tilespmem:s23+$0xFFFFFEE0]  }
0xc0: {  	v51 =	vld [tilespmem:s24+$0xFFFFFF00]  }
0xc1: {  	v25 =	vld [tilespmem:s23+$0xFFFFFF00]  }
0xc2: {  	[tilespmem:$0x1FFE0] =	vst v0;
	v0 =	vld [tilespmem:s24+$0xFFFFFEE0]  }
0xc3: {  	v26 =	vld [tilespmem:s24+$0xFFFFFF10]  }
0xc4: {  	v27 =	vld [tilespmem:s23+$0xFFFFFF10]  }
0xc5: {  	v33 =	vmul.f32 v30, v33;
	v30 =	vld [tilespmem:s24+$0xFFFFFE30]  }
0xc6: {  	v32 =	vmul.f32 v32, v31;
	v31 =	vld [tilespmem:s23+$0xFFFFFE30]  }
0xc7: {  	v43 =	vmul.f32 v44, v43;
	[tilespmem:$0x1FFF0] =	vst v0;
	v0 =	vld [tilespmem:$0x1FF80]  }
0xc8: {  	v44 =	vmul.f32 v46, v45;
	v45 =	vmul.f32 v1, v49;
	v1 =	vld [tilespmem:$0x1FF90]  }
0xc9: {  	v46 =	vmul.f32 v52, v2;
	v2 =	vld [tilespmem:$0x1FFA0]  }
0xca: {  	v47 =	vmul.f32 v47, v48;
	v48 =	vld [tilespmem:s24+$0xFFFFFE80]  }
0xcb: {  	v55 =	vmul.f32 v55, v56;
	v56 =	vld [tilespmem:s23+$0xFFFFFE90]  }
0xcc: {  	v23 =	vmul.f32 v23, v36;
	v36 =	vld [tilespmem:s23+$0xFFFFFE00];
	v22 =	vmul.f32 v0, v22;
	v0 =	vadd.f32 v33, v32  }
0xcd: {  	v37 =	vmul.f32 v37, v38;
	v39 =	vmul.f32 v39, v40;
	v38 =	vld [tilespmem:s24+$0xFFFFFE10]  }
0xce: {  	v40 =	vld [tilespmem:s23+$0xFFFFFE10];
	v52 =	vmul.f32 v2, v1;
	v0 =	vadd.f32 v22, v0;
	v22 =	vadd.f32 v44, v43  }
0xcf: {  	v7 =	vmul.f32 v7, v5;
	v41 =	vmul.f32 v41, v42;
	v42 =	vld [tilespmem:s24+$0xFFFFFE50]  }
0xd0: {  	v13 =	vmul.f32 v14, v13;
	v45 =	vadd.f32 v46, v45;
	v46 =	vld [tilespmem:s23+$0xFFFFFEC0];
	v22 =	vadd.f32 v52, v22  }
0xd1: {  	v23 =	vadd.f32 v23, v37;
	v37 =	vld [tilespmem:s24+$0xFFFFFE00];
	v0 =	vadd.f32 v7, v0  }
0xd2: {  	v34 =	vmul.f32 v34, v63;
	v1 =	vld [tilespmem:s24+$0xFFFFFED0];
	v22 =	vadd.f32 v13, v22  }
0xd3: {  	v52 =	vld [tilespmem:$0x1FFB0];
	(xrf2) =	vadd.scan.msk.f32 $0xffff, v0  }
0xd4: {  	v14 =	vmul.f32 v24, v15;
	v45 =	vadd.f32 v34, v45;
	(xrf2) =	vadd.scan.msk.f32 $0xffff, v22;
	v22 =	vmul.f32 v53, v54;
	v53 =	vld [tilespmem:$0x1FFC0]  }
0xd5: {  	v60 =	vmul.f32 v60, v59;
	v2 =	vld [tilespmem:s23+$0xFFFFFED0]  }
0xd6: {  	v63 =	vmul.f32 v62, v61;
	v39 =	vadd.f32 v39, v41;
	v41 =	vld [tilespmem:s23+$0xFFFFFE40];
	v5 =	vadd.f32 v14, v45  }
0xd7: {  	v44 =	vld [tilespmem:s24+$0xFFFFFEC0]  }
0xd8: {  	v7 =	vadd.f32 v63, v60;
	v60 =	vld [tilespmem:$0x1FFE0];
	v0 =	vmul.f32 v35, v58;
	(xrf2) =	vadd.scan.msk.f32 $0xffff, v5  }
0xd9: {  	v58 =	vmul.f32 v4, v3;
	v3 =	vld [tilespmem:$0x1FFD0];
	v22 =	vadd.f32 v47, v22;
	v54 =	vmul.f32 v53, v52  }
0xda: {  	v62 =	vmul.f32 v2, v1;
	v2 =	vld [tilespmem:$0x1FFF0];
	v13 =	vmul.f32 v8, v6;
	v0 =	vadd.f32 v0, v7  }
0xdb: {  	v34 =	vld [tilespmem:s24+$0xFFFFFE20];
	v22 =	vadd.f32 v54, v22  }
0xdc: {  	v59 =	vmul.f32 v50, v21;
	v23 =	vadd.f32 v55, v23;
	v43 =	vld [tilespmem:s23+$0xFFFFFE80];
	v0 =	vadd.f32 v13, v0  }
0xdd: {  	v14 =	vld [tilespmem:s24+$0xFFFFFE90];
	v44 =	vmul.f32 v46, v44;
	v22 =	vadd.f32 v58, v22  }
0xde: {  	v23 =	vadd.f32 v59, v23;
	v32 =	vld [tilespmem:s24+$0xFFFFFEA0];
	v61 =	vmul.f32 v60, v3  }
0xdf: {  	v33 =	vld [tilespmem:s23+$0xFFFFFEA0];
	v2 =	vmul.f32 v57, v2;
	v44 =	vadd.f32 v62, v44  }
0xe0: {  	v1 =	vmul.f32 v11, v9;
	v35 =	vld [tilespmem:s23+$0xFFFFFE20];
	(xrf2) =	vadd.scan.msk.f32 $0xffff, v0;
	v63 =	vadd.f32 v61, v39;
	v0, _, _ =	vpop (xrf2)  }
0xe1: {  	v45 =	vmul.f32 v43, v48;
	v46 =	vadd.f32 v2, v44;
	v44 =	vld [tilespmem:s23+$0xFFFFFE50];
	(xrf2) =	vadd.scan.msk.f32 $0xffff, v22;
	v22, _, _ =	vpop (xrf2)  }
0xe2: {  	s29 =	simm.s32 $0x40;
	s26 =	simm.s32 $0x0;
	v48 =	vmul.f32 v56, v14;
	v47 =	vmul.f32 v12, v10;
	v39 =	vld [tilespmem:s24+$0xFFFFFE40];
	v43 =	vadd.f32 v1, v63;
	(xrf2) =	vadd.scan.msk.f32 $0xffff, v23;
	v23, _, _ =	vpop (xrf2)  }
.LBB2_2:
0xe3: {  	v1 =	vld [tilespmem:$0x1FF70]  }
0xe4: {  	v24 =	vmul.f32 v25, v51;
	v25 =	vmul.f32 v27, v26;
	v26 =	vld [tilespmem:s23+$0xFFFFFFE0];
	_ =	sdelay $0x3  }
0xe5: {  	v2 =	vld [tilespmem:$0x1FF40]  }
0xe6: {  	v15 =	vmul.f32 v26, v1;
	v1 =	vld [tilespmem:$0x1FF30];
	_ =	sdelay $0x4  }
0xe7: {  	v11 =	vmul.f32 v2, v1;
	v1 =	vld [tilespmem:$0x1FF50]  }
0xe8: {  	v2 =	vld [tilespmem:$0x1FF60];
	_ =	sdelay $0x3  }
0xe9: {  	v16 =	vmul.f32 v17, v16;
	v17 =	vmul.f32 v19, v18;
	v18 =	vld [tilespmem:s23+$0xA0]  }
0xea: {  	v12 =	vmul.f32 v2, v1;
	v1 =	vld [tilespmem:$0x1FF20]  }
0xeb: {  	v62 =	vld [tilespmem:s23+$0xFFFFFF20]  }
0xec: {  	v6 =	vld [tilespmem:s23+$0xFFFFFF30]  }
0xed: {  	v30 =	vmul.f32 v31, v30;
	v31 =	vld [tilespmem:s24+$0xFFFFFF30]  }
0xee: {  	v2 =	vld [tilespmem:$0x1FEF0]  }
0xef: {  	v10 =	vmul.f32 v18, v1;
	v1 =	vld [tilespmem:$0x1FEE0];
	_ =	sdelay $0x1  }
0xf0: {  	v49 =	vld [tilespmem:s24+$0xFFFFFE60]  }
0xf1: {  	v7 =	vld [tilespmem:s24+$0xFFFFFFF0];
	v21 =	vmul.f32 v62, v20;
	v24 =	vadd.f32 v25, v24  }
0xf2: {  	v25 =	vld [tilespmem:s23+$0xFFFFFFF0]  }
0xf3: {  	v21 =	vadd.f32 v21, v24;
	v24 =	vmul.f32 v6, v31;
	v6 =	vmul.f32 v2, v1;
	v1 =	vld [tilespmem:$0x1FF00]  }
0xf4: {  	v2 =	vld [tilespmem:$0x1FF10]  }
0xf5: {  	v55 =	vld [tilespmem:s23+$0xFFFFFE60];
	v45 =	vadd.f32 v48, v45;
	v33 =	vmul.f32 v33, v32;
	v36 =	vmul.f32 v36, v37  }
0xf6: {  	v58 =	vld [tilespmem:s24+$0xFFFFFE70];
	v56 =	vadd.f32 v47, v46;
	v54 =	vmul.f32 v40, v38;
	v28 =	vmul.f32 v29, v28  }
0xf7: {  	v59 =	vld [tilespmem:s23+$0xFFFFFE70];
	(xrf2) =	vadd.scan.msk.f32 $0xffff, v43;
	v16 =	vadd.f32 v17, v16;
	v34 =	vmul.f32 v35, v34;
	v60 =	vmul.f32 v41, v39  }
0xf8: {  	v13 =	vld [tilespmem:s23+$0x160];
	v61 =	vmul.f32 v44, v42;
	v33 =	vadd.f32 v33, v45;
	v29 =	vadd.f32 v54, v36  }
0xf9: {  	v15 =	vadd.f32 v15, v16;
	v16 =	vmul.f32 v25, v7;
	v7 =	vmul.f32 v2, v1;
	v1 =	vld [tilespmem:$0x1FED0]  }
0xfa: {  	v57, _, _ =	vpop (xrf2);
	(xrf2) =	vadd.scan.msk.f32 $0xffff, v56;
	v4 =	vadd.f32 v61, v60  }
0xfb: {  	v5 =	vmul.f32 v55, v49;
	v28 =	vadd.f32 v28, v33;
	v29 =	vadd.f32 v34, v29;
	_ =	sdelay $0x1  }
0xfc: {  	v63, _, _ =	vpop (xrf2);
	(xrf2) =	vadd.scan.msk.f32 $0xffff, v28;
	v28 =	vadd.f32 v30, v29;
	v29 =	vadd.f32 v5, v4;
	v30 =	vmul.f32 v59, v58;
	v2 =	vld [tilespmem:$0x1FEA0]  }
0xfd: {  	v5 =	vmul.f32 v13, v1;
	v1 =	vld [tilespmem:$0x1FE90]  }
0xfe: {  	v17 =	vld [tilespmem:s23+$0xB0];
	v27, _, _ =	vpop (xrf2);
	(xrf2) =	vadd.scan.msk.f32 $0xffff, v28;
	v28 =	vadd.f32 v30, v29  }
0xff: {  	v33 =	vld [tilespmem:s23+$0x170]  }
0x100: {  	v19, _, _ =	vpop (xrf2);
	v29 =	vld [tilespmem:s24+$0xB0];
	(xrf2) =	vadd.scan.msk.f32 $0xffff, v28  }
0x101: {  	v21 =	vadd.f32 v24, v21;
	v24 =	vld [tilespmem:s24+$0x170]  }
0x102: {  	v3 =	vmul.f32 v2, v1;
	v1 =	vld [tilespmem:$0x1FEB0]  }
0x103: {  	v14, _, _ =	vpop (xrf2);
	(xrf2) =	vadd.scan.msk.f32 $0xffff, v21;
	v11 =	vadd.f32 v12, v11;
	v2 =	vld [tilespmem:$0x1FEC0]  }
0x104: {  	v8 =	vld [tilespmem:s24+$0x1E0];
	v15 =	vadd.f32 v16, v15  }
0x105: {  	v16 =	vld [tilespmem:s23+$0x1E0];
	v17 =	vmul.f32 v17, v29;
	v10 =	vadd.f32 v10, v11  }
0x106: {  	v34 =	vld [tilespmem:s24+$0x1F0];
	v9, _, _ =	vpop (xrf2);
	(xrf2) =	vadd.scan.msk.f32 $0xffff, v15;
	v6 =	vadd.f32 v7, v6  }
0x107: {  	v4 =	vld [tilespmem:s23+$0x1F0];
	v10 =	vadd.f32 v17, v10  }
0x108: {  	v36 =	vmul.f32 v33, v24;
	v13 =	vadd.f32 v5, v6;
	v1 =	vmul.f32 v2, v1  }
0x109: {  	v35, _, _ =	vpop (xrf2);
	(xrf2) =	vadd.scan.msk.f32 $0xffff, v10  }
0x10a: {  	v37, _, _ =	vpop (xrf2);
	v2 =	vadd.f32 v36, v13;
	v1 =	vadd.f32 v1, v3;
	v3 =	vmul.f32 v16, v8  }
0x10b: {  	v38 =	vbroadcast v35, $0xF;
	v40 =	vbroadcast v37, $0xF  }
0x10c: {  	v41 =	vbroadcast v9, $0xF;
	(xrf2) =	vadd.scan.msk.f32 $0xffff, v2;
	v1 =	vadd.f32 v3, v1;
	v3 =	vmul.f32 v4, v34  }
0x10d: {  	v42 =	vbroadcast v14, $0xF;
	v43, _, _ =	vpop (xrf2);
	v2 =	vsel vm0, v38, v40  }
0x10e: {  	v44 =	vbroadcast v43, $0xF;
	v2 =	vsel vm1, v2, v41;
	v1 =	vadd.f32 v3, v1  }
0x10f: {  	v2 =	vsel vm2, v2, v42;
	v3 =	vbroadcast v19, $0xF  }
0x110: {  	v45 =	vbroadcast v27, $0xF;
	v46, _, _ =	vpop (xrf2);
	v2 =	vsel vm3, v2, v44;
	(xrf2) =	vadd.scan.msk.f32 $0xffff, v1  }
0x111: {  	v1 =	vsel vm4, v2, v3;
	v2 =	vbroadcast v46, $0xF  }
0x112: {  	v3 =	vbroadcast v63, $0xF;
	v1 =	vsel vm5, v1, v45  }
0x113: {  	v47, _, _ =	vpop (xrf2);
	v1 =	vsel vm6, v1, v2;
	v2 =	vbroadcast v57, $0xF  }
0x114: {  	v1 =	vsel vm7, v1, v3;
	v3 =	vbroadcast v47, $0xF  }
0x115: {  	v1 =	vsel vm8, v1, v2;
	v2 =	vbroadcast v23, $0xF  }
0x116: {  	s30 =	sshra.s32 s26, $0x2;
	v48, _, _ =	vpop (xrf2);
	v1 =	vsel vm9, v1, v3;
	v3 =	vbroadcast v22, $0xF  }
0x117: {  	v49 =	vld [tilespmem:s30+$0x10400];
	v1 =	vsel vm10, v1, v2;
	v2 =	vbroadcast v48, $0xF  }
0x118: {  	v0 =	vbroadcast v0, $0xF;
	v1 =	vsel vm11, v1, v3  }
0x119: {  	v1 =	vsel vm12, v1, v2;
	v2 =	vld [tilespmem:s30+$0x10600]  }
0x11a: {  	v1 =	vsel vm13, v1, v0;
	v3, _, _ =	vpop (xrf2)  }
0x11b: {  	v0 =	vld [tilespmem:$0x1FE80];
	v1 =	vsel vm14, v1, v3  }
0x11c: {  	v1 =	vadd.f32 v1, v49;
	_ =	sdelay $0x1  }
0x11d: {  	v1 =	vadd.f32 v1, v2;
	_ =	sdelay $0x1  }
0x11e: {  	v1 =	vadd.f32 v1, v0;
	_ =	sdelay $0x1  }
0x11f: {  	s24 =	sadd.s32 $0x400, s24;
	[tilespmem:s30+$0x10800] =	vst v1  }
0x120: {  	v0 =	vld [tilespmem:s24+$0x1B0];
	_ =	sdelay $0x1  }
0x121: {  	s23 =	sadd.s32 $0x400, s23  }
0x122: {  	v22 =	vld [tilespmem:s23+$0x1B0]  }
0x123: {  	v27 =	vld [tilespmem:s24+$0x1A0]  }
0x124: {  	[tilespmem:$0x1FE30] =	vst v0;
	v0 =	vld [tilespmem:s24+$0x1C0]  }
0x125: {  	v30 =	vld [tilespmem:s23+$0x1A0]  }
0x126: {  	v34 =	vld [tilespmem:s24+$0x130]  }
0x127: {  	v36 =	vld [tilespmem:s23+$0x130]  }
0x128: {  	v25 =	vld [tilespmem:s24+$0x180]  }
0x129: {  	[tilespmem:$0x1FE90] =	vst v0;
	v0 =	vld [tilespmem:s23+$0x1C0]  }
0x12a: {  	v26 =	vld [tilespmem:s23+$0x180]  }
0x12b: {  	v31 =	vld [tilespmem:s24+$0x190]  }
0x12c: {  	v48 =	vld [tilespmem:s23+$0x190]  }
0x12d: {  	v23 =	vld [tilespmem:s24+$0xF0]  }
0x12e: {  	[tilespmem:$0x1FEA0] =	vst v0;
	v0 =	vld [tilespmem:s24+$0x1D0]  }
0x12f: {  	v35 =	vld [tilespmem:s23+$0xF0]  }
0x130: {  	v32 =	vld [tilespmem:s24+$0x120]  }
0x131: {  	v33 =	vld [tilespmem:s23+$0x120]  }
0x132: {  	v42 =	vld [tilespmem:s24+$0xE0]  }
0x133: {  	[tilespmem:$0x1FEB0] =	vst v0;
	v0 =	vld [tilespmem:s23+$0x1D0]  }
0x134: {  	v45 =	vld [tilespmem:s23+$0xE0]  }
0x135: {  	v54 =	vld [tilespmem:s24+$0x100]  }
0x136: {  	v55 =	vld [tilespmem:s23+$0x100]  }
0x137: {  	v56 =	vld [tilespmem:s24+$0x110]  }
0x138: {  	[tilespmem:$0x1FEC0] =	vst v0;
	v0 =	vld [tilespmem:s24+$0x160]  }
0x139: {  	v57 =	vld [tilespmem:s23+$0x110]  }
0x13a: {  	v40 =	vld [tilespmem:s23+$0x70]  }
0x13b: {  	v58 =	vld [tilespmem:s24+$0xC0]  }
0x13c: {  	v59 =	vld [tilespmem:s23+$0xC0]  }
0x13d: {  	[tilespmem:$0x1FED0] =	vst v0;
	v0 =	vld [tilespmem:s24+$0x140]  }
0x13e: {  	v60 =	vld [tilespmem:s24+$0xD0]  }
0x13f: {  	v61 =	vld [tilespmem:s23+$0xD0]  }
0x140: {  	v39 =	vld [tilespmem:s23+$0x30]  }
0x141: {  	v52 =	vld [tilespmem:s24+$0x60]  }
0x142: {  	[tilespmem:$0x1FEE0] =	vst v0;
	v0 =	vld [tilespmem:s23+$0x140]  }
0x143: {  	v53 =	vld [tilespmem:s23+$0x60]  }
0x144: {  	v49 =	vld [tilespmem:s24+$0x20]  }
0x145: {  	v37 =	vld [tilespmem:s23+$0x20]  }
0x146: {  	v62 =	vld [tilespmem:s24+$0x40]  }
0x147: {  	[tilespmem:$0x1FEF0] =	vst v0;
	v0 =	vld [tilespmem:s24+$0x150]  }
0x148: {  	v63 =	vld [tilespmem:s23+$0x40]  }
0x149: {  	v1 =	vld [tilespmem:s23+$0x50]  }
0x14a: {  	v38 =	vld [tilespmem:s24+$0xFFFFFFB0]  }
0x14b: {  	v46 =	vld [tilespmem:s23+$0xFFFFFFB0]  }
0x14c: {  	[tilespmem:$0x1FF00] =	vst v0;
	v0 =	vld [tilespmem:s23+$0x150]  }
0x14d: {  	v2 =	vld [tilespmem:s24+$0xFFFFFFE0]  }
0x14e: {  	v3 =	vld [tilespmem:s23+$0x0]  }
0x14f: {  	v4 =	vld [tilespmem:s24+$0x10]  }
0x150: {  	v5 =	vld [tilespmem:s23+$0x10]  }
0x151: {  	[tilespmem:$0x1FF10] =	vst v0;
	v0 =	vld [tilespmem:s24+$0x70]  }
0x152: {  	v50 =	vld [tilespmem:s24+$0xFFFFFF70]  }
0x153: {  	v41 =	vld [tilespmem:s23+$0xFFFFFF70]  }
0x154: {  	v6 =	vld [tilespmem:s24+$0xFFFFFFA0]  }
0x155: {  	v7 =	vld [tilespmem:s23+$0xFFFFFFA0]  }
0x156: {  	[tilespmem:$0x1FE40] =	vst v0;
	v0 =	vld [tilespmem:s24+$0xA0]  }
0x157: {  	v24 =	vld [tilespmem:s23+$0xFFFFFFC0]  }
0x158: {  	v44 =	vld [tilespmem:s24+$0xFFFFFFD0]  }
0x159: {  	v43 =	vld [tilespmem:s23+$0xFFFFFFD0]  }
0x15a: {  	v8 =	vld [tilespmem:s24+$0xFFFFFF60]  }
0x15b: {  	[tilespmem:$0x1FF20] =	vst v0;
	v0 =	vld [tilespmem:s24+$0x30]  }
0x15c: {  	v9 =	vld [tilespmem:s23+$0xFFFFFF60]  }
0x15d: {  	v10 =	vld [tilespmem:s24+$0xFFFFFF80]  }
0x15e: {  	v11 =	vld [tilespmem:s23+$0xFFFFFF80]  }
0x15f: {  	v12 =	vld [tilespmem:s24+$0xFFFFFF90]  }
0x160: {  	[tilespmem:$0x1FE50] =	vst v0;
	v0 =	vld [tilespmem:s24+$0x80]  }
0x161: {  	v13 =	vld [tilespmem:s23+$0xFFFFFF90]  }
0x162: {  	v51 =	vld [tilespmem:s24+$0xFFFFFEF0]  }
0x163: {  	v47 =	vld [tilespmem:s23+$0xFFFFFEF0]  }
0x164: {  	v20 =	vld [tilespmem:s24+$0xFFFFFF20]  }
0x165: {  	[tilespmem:$0x1FF30] =	vst v0;
	v0 =	vld [tilespmem:s23+$0x80]  }
0x166: {  	v14 =	vld [tilespmem:s24+$0xFFFFFF40]  }
0x167: {  	v15 =	vld [tilespmem:s23+$0xFFFFFF40]  }
0x168: {  	v16 =	vld [tilespmem:s24+$0xFFFFFF50]  }
0x169: {  	v17 =	vld [tilespmem:s23+$0xFFFFFF50]  }
0x16a: {  	[tilespmem:$0x1FF40] =	vst v0;
	v0 =	vld [tilespmem:s24+$0x90]  }
0x16b: {  	v28 =	vld [tilespmem:s24+$0xFFFFFEB0]  }
0x16c: {  	v29 =	vld [tilespmem:s23+$0xFFFFFEB0];
	v21 =	vmul.f32 v26, v25;
	v31 =	vmul.f32 v48, v31  }
0x16d: {  	v18 =	vld [tilespmem:s24+$0xFFFFFEE0]  }
0x16e: {  	v19 =	vld [tilespmem:s23+$0xFFFFFEE0];
	v21 =	vadd.f32 v31, v21;
	v31 =	vmul.f32 v30, v27  }
0x16f: {  	[tilespmem:$0x1FF50] =	vst v0;
	v0 =	vld [tilespmem:s23+$0x90]  }
0x170: {  	v21 =	vadd.f32 v31, v21;
	v31 =	vld [tilespmem:$0x1FE30]  }
0x171: {  	[tilespmem:$0x1FF70] =	vst v2;
	v2 =	vld [tilespmem:s24+$0x0]  }
0x172: {  	[tilespmem:$0x1FE60] =	vst v50;
	v50 =	vld [tilespmem:s24+$0xFFFFFFC0]  }
0x173: {  	[tilespmem:$0x1FE70] =	vst v51;
	v51 =	vld [tilespmem:s24+$0xFFFFFF00];
	v48 =	vmul.f32 v55, v54;
	v57 =	vmul.f32 v57, v56  }
0x174: {  	[tilespmem:$0x1FF60] =	vst v0;
	v0 =	vld [tilespmem:s24+$0x50]  }
0x175: {  	v25 =	vld [tilespmem:s23+$0xFFFFFF00];
	v54 =	vmul.f32 v33, v32;
	v48 =	vadd.f32 v57, v48;
	v22 =	vmul.f32 v22, v31  }
0x176: {  	v26 =	vld [tilespmem:s24+$0xFFFFFF10]  }
0x177: {  	v32 =	vld [tilespmem:s24+$0xFFFFFEA0];
	v34 =	vmul.f32 v36, v34;
	v21 =	vadd.f32 v22, v21;
	v22 =	vadd.f32 v54, v48  }
0x178: {  	v33 =	vld [tilespmem:s23+$0xFFFFFEA0]  }
0x179: {  	v23 =	vmul.f32 v35, v23;
	v35 =	vld [tilespmem:s23+$0xFFFFFE20];
	v0 =	vmul.f32 v1, v0;
	v1 =	vadd.f32 v34, v22  }
0x17a: {  	v55 =	vmul.f32 v59, v58;
	v56 =	vld [tilespmem:s23+$0xFFFFFE90];
	v59 =	vmul.f32 v46, v38;
	(xrf2) =	vadd.scan.msk.f32 $0xffff, v21  }
0x17b: {  	v38 =	vld [tilespmem:s24+$0xFFFFFE10];
	(xrf2) =	vadd.scan.msk.f32 $0xffff, v1;
	v1 =	vmul.f32 v3, v2;
	v2 =	vmul.f32 v5, v4  }
0x17c: {  	v27 =	vld [tilespmem:s23+$0xFFFFFF10]  }
0x17d: {  	v61 =	vmul.f32 v61, v60;
	v30 =	vld [tilespmem:s24+$0xFFFFFE30];
	v1 =	vadd.f32 v2, v1;
	v2 =	vmul.f32 v37, v49  }
0x17e: {  	v42 =	vmul.f32 v45, v42;
	v45 =	vld [tilespmem:$0x1FE40]  }
0x17f: {  	v60 =	vadd.f32 v61, v55;
	v61 =	vmul.f32 v63, v62;
	v1 =	vadd.f32 v2, v1;
	v2 =	vld [tilespmem:$0x1FE50]  }
0x180: {  	v62 =	vld [tilespmem:s23+$0xFFFFFED0]  }
0x181: {  	v63 =	vmul.f32 v53, v52;
	v48 =	vld [tilespmem:s24+$0xFFFFFEC0];
	v0 =	vadd.f32 v0, v61  }
0x182: {  	v36 =	vadd.f32 v42, v60;
	v21 =	vld [tilespmem:s23+$0xFFFFFEC0]  }
0x183: {  	v22 =	vld [tilespmem:s24+$0xFFFFFED0];
	v4 =	vmul.f32 v40, v45;
	v0 =	vadd.f32 v63, v0  }
0x184: {  	v52 =	vld [tilespmem:s24+$0xFFFFFE80];
	v3 =	vadd.f32 v23, v36;
	v2 =	vmul.f32 v39, v2  }
0x185: {  	v55 =	vld [tilespmem:s24+$0xFFFFFE90];
	v54 =	vadd.f32 v4, v0  }
0x186: {  	v42 =	vld [tilespmem:s24+$0xFFFFFE50];
	(xrf2) =	vadd.scan.msk.f32 $0xffff, v3;
	v1 =	vadd.f32 v2, v1  }
0x187: {  	v31 =	vld [tilespmem:s23+$0xFFFFFE30];
	(xrf2) =	vadd.scan.msk.f32 $0xffff, v54  }
0x188: {  	v34 =	vld [tilespmem:s24+$0xFFFFFE20];
	v60 =	vmul.f32 v62, v22;
	v0, _, _ =	vpop (xrf2);
	(xrf2) =	vadd.scan.msk.f32 $0xffff, v1;
	v1 =	vmul.f32 v21, v48  }
0x189: {  	v10 =	vmul.f32 v11, v10;
	v53 =	vmul.f32 v13, v12;
	v36 =	vld [tilespmem:s23+$0xFFFFFE00]  }
0x18a: {  	v6 =	vmul.f32 v7, v6;
	v63 =	vmul.f32 v19, v18;
	v62 =	vld [tilespmem:$0x1FE60];
	v1 =	vadd.f32 v60, v1  }
0x18b: {  	v58 =	vmul.f32 v17, v16;
	v57 =	vmul.f32 v15, v14;
	v10 =	vadd.f32 v53, v10;
	v3 =	vld [tilespmem:s23+$0xFFFFFE80]  }
0x18c: {  	p0 =	sne.s32 s29, $0x7C0;
	v46 =	vadd.f32 v63, v1;
	v1 =	vld [tilespmem:$0x1FE70]  }
.Ltmp0:
0x18d: {  	v8 =	vmul.f32 v9, v8;
	v7 =	vadd.f32 v58, v57;
	v40 =	vld [tilespmem:s23+$0xFFFFFE10];
	v2 =	vadd.f32 v6, v10;
	(pc) =	sbr.rel @p0 .LBB2_2-.Ltmp0, $4  }
0x18e: {  	v17 =	vmov v24;
	v37 =	vld [tilespmem:s24+$0xFFFFFE00]  }
0x18f: {  	v61 =	vadd.f32 v8, v7;
	v18 =	vmovc v44;
	v44 =	vld [tilespmem:s23+$0xFFFFFE50];
	v7 =	vmul.f32 v41, v62;
	v2 =	vadd.f32 v59, v2  }
0x190: {  	v16 =	vmov v50;
	v19 =	vmov v43;
	v45 =	vmul.f32 v3, v52;
	v41 =	vld [tilespmem:s23+$0xFFFFFE40];
	v22, _, _ =	vpop (xrf2)  }
0x191: {  	s26 =	smov.u32 s29;
	s29 =	sadd.s32 $0x40, s29;
	v39 =	vld [tilespmem:s24+$0xFFFFFE40];
	v43 =	vadd.f32 v7, v61;
	v23, _, _ =	vpop (xrf2);
	v48 =	vmul.f32 v56, v55;
	(xrf2) =	vadd.scan.msk.f32 $0xffff, v2;
	v47 =	vmul.f32 v47, v1  }
0x192: {  	v1 =	vld [tilespmem:s24+$0xFFFFFE60]  }
0x193: {  	v2 =	vld [tilespmem:s23+$0xFFFFFE60]  }
0x194: {  	v5 =	vld [tilespmem:s24+$0xFFFFFE70]  }
0x195: {  	v9 =	vld [tilespmem:s23+$0xFFFFFE70]  }
0x196: {  	v11 =	vld [tilespmem:s23+$0xFFFFFF20]  }
0x197: {  	v13 =	vld [tilespmem:s24+$0xFFFFFF30]  }
0x198: {  	v7 =	vmul.f32 v40, v38;
	v38 =	vld [tilespmem:s23+$0xFFFFFF30]  }
0x199: {  	v15 =	vld [tilespmem:s23+$0xFFFFFFE0]  }
0x19a: {  	v49 =	vld [tilespmem:s24+$0xB0]  }
0x19b: {  	v50 =	vld [tilespmem:$0x1FF70]  }
0x19c: {  	v53 =	vld [tilespmem:$0x1FF30]  }
0x19d: {  	v54 =	vld [tilespmem:$0x1FF40]  }
0x19e: {  	v55 =	vld [tilespmem:$0x1FF50]  }
0x19f: {  	v56 =	vld [tilespmem:$0x1FF60]  }
0x1a0: {  	v57 =	vld [tilespmem:s23+$0x160]  }
0x1a1: {  	v59 =	vld [tilespmem:s24+$0x170]  }
0x1a2: {  	v61 =	vld [tilespmem:$0x1FF20]  }
0x1a3: {  	v4 =	vmul.f32 v33, v32;
	v12 =	vmul.f32 v29, v28;
	v62 =	vld [tilespmem:s23+$0x170]  }
0x1a4: {  	v14 =	vmul.f32 v31, v30;
	v21 =	vld [tilespmem:$0x1FF00];
	v6 =	vmul.f32 v36, v37  }
0x1a5: {  	v24 =	vld [tilespmem:$0x1FF10];
	v3 =	vadd.f32 v48, v45;
	v10 =	vmul.f32 v44, v42;
	v36 =	vmul.f32 v41, v39  }
0x1a6: {  	v40 =	vmul.f32 v27, v26;
	v30 =	vld [tilespmem:$0x1FED0];
	v37 =	vmul.f32 v35, v34;
	v6 =	vadd.f32 v7, v6  }
0x1a7: {  	v33 =	vld [tilespmem:$0x1FE90];
	v3 =	vadd.f32 v4, v3;
	v1 =	vmul.f32 v2, v1;
	v4 =	vadd.f32 v10, v36  }
0x1a8: {  	v8 =	vadd.f32 v47, v46;
	v47 =	vld [tilespmem:s23+$0xA0];
	v39 =	vmul.f32 v25, v51;
	v6 =	vadd.f32 v37, v6  }
0x1a9: {  	(xrf2) =	vadd.scan.msk.f32 $0xffff, v43;
	v42 =	vld [tilespmem:s24+$0xFFFFFFF0];
	v3 =	vadd.f32 v12, v3;
	v41 =	vmul.f32 v9, v5;
	v1 =	vadd.f32 v1, v4  }
0x1aa: {  	v44 =	vld [tilespmem:s23+$0xFFFFFFF0];
	(xrf2) =	vadd.scan.msk.f32 $0xffff, v8;
	v43 =	vmul.f32 v11, v20;
	v7 =	vadd.f32 v40, v39;
	v6 =	vadd.f32 v14, v6  }
0x1ab: {  	v45 =	vmul.f32 v17, v16;
	v46 =	vmul.f32 v19, v18;
	v19 =	vld [tilespmem:$0x1FEE0];
	(xrf2) =	vadd.scan.msk.f32 $0xffff, v3;
	v1 =	vadd.f32 v41, v1  }
0x1ac: {  	v2 =	vmul.f32 v38, v13;
	v20 =	vld [tilespmem:$0x1FEF0];
	v48 =	vadd.f32 v43, v7;
	(xrf2) =	vadd.scan.msk.f32 $0xffff, v6  }
0x1ad: {  	v51 =	vld [tilespmem:s23+$0xB0];
	v3 =	vadd.f32 v46, v45;
	v4 =	vmul.f32 v15, v50;
	(xrf2) =	vadd.scan.msk.f32 $0xffff, v1  }
0x1ae: {  	v34 =	vld [tilespmem:$0x1FEA0];
	v6 =	vmul.f32 v56, v55;
	v52 =	vadd.f32 v2, v48;
	v2 =	vmul.f32 v54, v53  }
0x1af: {  	v37 =	vld [tilespmem:$0x1FEB0];
	v58 =	vmul.f32 v44, v42;
	v3 =	vadd.f32 v4, v3  }
0x1b0: {  	v60, _, _ =	vpop (xrf2);
	v38 =	vld [tilespmem:$0x1FEC0];
	v2 =	vadd.f32 v6, v2;
	v6 =	vmul.f32 v47, v61;
	(xrf2) =	vadd.scan.msk.f32 $0xffff, v52  }
0x1b1: {  	v28 =	vld [tilespmem:s23+$0x1E0];
	v63, _, _ =	vpop (xrf2);
	v12 =	vmul.f32 v24, v21;
	v4 =	vmul.f32 v20, v19;
	v3 =	vadd.f32 v58, v3  }
0x1b2: {  	v25 =	vld [tilespmem:s24+$0x1E0];
	v26, _, _ =	vpop (xrf2);
	v27 =	vmul.f32 v51, v49;
	v2 =	vadd.f32 v6, v2  }
0x1b3: {  	v31 =	vld [tilespmem:s24+$0x1F0];
	v11 =	vmul.f32 v57, v30;
	v29, _, _ =	vpop (xrf2);
	v4 =	vadd.f32 v12, v4;
	(xrf2) =	vadd.scan.msk.f32 $0xffff, v3  }
0x1b4: {  	v35 =	vld [tilespmem:s23+$0x1F0];
	v5 =	vmul.f32 v62, v59;
	v32, _, _ =	vpop (xrf2);
	v2 =	vadd.f32 v27, v2  }
0x1b5: {  	v10 =	vmul.f32 v38, v37;
	v6 =	vmul.f32 v34, v33;
	v4 =	vadd.f32 v11, v4;
	v36, _, _ =	vpop (xrf2)  }
0x1b6: {  	(xrf2) =	vadd.scan.msk.f32 $0xffff, v2;
	v39, _, _ =	vpop (xrf2)  }
0x1b7: {  	v42 =	vmul.f32 v28, v25;
	v40 =	vadd.f32 v5, v4;
	v41 =	vadd.f32 v10, v6;
	v43, _, _ =	vpop (xrf2)  }
0x1b8: {  	v44 =	vbroadcast v39, $0xF;
	v6 =	vbroadcast v43, $0xF  }
0x1b9: {  	v46 =	vmul.f32 v35, v31;
	v45 =	vbroadcast v36, $0xF;
	v4 =	vadd.f32 v42, v41;
	(xrf2) =	vadd.scan.msk.f32 $0xffff, v40  }
0x1ba: {  	v3 =	vbroadcast v32, $0xF;
	v48, _, _ =	vpop (xrf2);
	v47 =	vsel vm0, v44, v6  }
0x1bb: {  	v4 =	vadd.f32 v46, v4;
	v6 =	vbroadcast v48, $0xF;
	v2 =	vsel vm1, v47, v45  }
0x1bc: {  	v49 =	vbroadcast v29, $0xF;
	v2 =	vsel vm2, v2, v3  }
0x1bd: {  	v50 =	vbroadcast v26, $0xF;
	(xrf2) =	vadd.scan.msk.f32 $0xffff, v4;
	v51, _, _ =	vpop (xrf2);
	v2 =	vsel vm3, v2, v6  }
0x1be: {  	v52 =	vbroadcast v51, $0xF;
	v2 =	vsel vm4, v2, v49  }
0x1bf: {  	v1 =	vbroadcast v63, $0xF;
	v2 =	vsel vm5, v2, v50  }
0x1c0: {  	v53 =	vbroadcast v60, $0xF;
	v54, _, _ =	vpop (xrf2);
	v2 =	vsel vm6, v2, v52  }
0x1c1: {  	v55 =	vbroadcast v54, $0xF;
	v1 =	vsel vm7, v2, v1  }
0x1c2: {  	v56 =	vbroadcast v23, $0xF;
	v1 =	vsel vm8, v1, v53  }
0x1c3: {  	s30 =	sshra.s32 s26, $0x2;
	v57 =	vbroadcast v22, $0xF;
	v58, _, _ =	vpop (xrf2);
	v1 =	vsel vm9, v1, v55  }
0x1c4: {  	v60 =	vld [tilespmem:s30+$0x10400];
	v59 =	vbroadcast v58, $0xF;
	v1 =	vsel vm10, v1, v56  }
0x1c5: {  	v0 =	vbroadcast v0, $0xF;
	v1 =	vsel vm11, v1, v57  }
0x1c6: {  	v61 =	vld [tilespmem:s30+$0x10600];
	v1 =	vsel vm12, v1, v59  }
0x1c7: {  	v62, _, _ =	vpop (xrf2);
	v0 =	vsel vm13, v1, v0  }
0x1c8: {  	v63 =	vld [tilespmem:$0x1FE80];
	v0 =	vsel vm14, v0, v62  }
0x1c9: {  	v0 =	vadd.f32 v0, v60;
	_ =	sdelay $0x1  }
0x1ca: {  	v0 =	vadd.f32 v0, v61;
	_ =	sdelay $0x1  }
0x1cb: {  	s22 =	sadd.s32 $0x1, s22;
	v0 =	vadd.f32 v0, v63  }
0x1cc: {  	p0 =	sne.s32 s22, s11  }
.Ltmp1:
0x1cd: {  	[tilespmem:s30+$0x10800] =	vst v0;
	(pc) =	sbr.rel @p0 .LBB2_1-.Ltmp1, $4  }
0x1ce: {  	[hbm4b:s10+s2] =	stream.linear.scatter [tilespmem:s20], [sflag:$0x2], $0x200, $0x38;
	[tilespmem:$0x10A10] =	vst v63  }
0x1cf: {  	_ =	swait.ge [sflag:s12], $0x200  }
0x1d0: {  	[sflag:s12] =	ssyncset.done $0x0  }
0x1d1: {  	[sflag:s12] =	ssyncadd.s32 $0xFFFFFE00  }
0x1d2: {  	_ =	sfence.sel $0x180000  }
0x1d3: {  	[bflag:$0x0] =	sbarrier.arrive $0xFFFF  }
0x1d4: {  	_ =	strace $0x90000047  }
0x1d5: {  	s0 =	stileid.u32;
	[bflag:$0x2] =	sbarrier.arrive $0xFFFF  }
0x1d6: {  	p0 =	sne.s32 s0, $0x0;
	s0 =	rddreg [dreg:$0x4]  }
0x1d7: {  	s0 =	sadd.s32 @!p0 $0x100000, s0  }
0x1d8: {  	[sflag:s0] =	ssyncadd.tile.s32 @!p0 $0x1;
	_ =	shalt  }
.Lfunc_end2:
_tile_overlayer_lowered:
.L_overlay_start_2:
0x1d9: {  	(tag) =	ssettag $0x2  }
0x1da: {  	s0 =	rddreg [dreg:$0x0];
	s2 =	stileid.u32  }
0x1db: {  	s1 =	rddreg [dreg:$0x1];
	p0 =	sne.s32 s2, $0x0  }
0x1dc: {  	s3 =	rddreg [dreg:$0x2];
	[bflag:$0x3] =	sbarrier.arrive $0xFFFF;
	s2 =	simm.s32 @!p0 $0x1C02  }
0x1dd: {  	[timem:s3], [sflag:s2] =	dma.local @!p0 [hbm:s0], s1  }
0x1de: {  	s0 =	simm.s32 @!p0 $0x2  }
0x1df: {  	_ =	swait.ge @!p0 [sflag:s0], s1  }
0x1e0: {  	s1 =	ssub.s32 @!p0 $0x0, s1;
	[sflag:s0] =	ssyncset.done @!p0 $0x0  }
0x1e1: {  	[sflag:s0] =	ssyncadd.s32 @!p0 s1  }
0x1e2: {  	[bflag:$0x3] =	sbarrier.arrive $0xFFFF  }
0x1e3: {  	_ =	shalt  }

</sc_bundles>
